<compile_context>
chip_gen: v7x
topology: tpu7x:2x2x1
jax: 0.10.2.dev20260603
libtpu: 0.0.44.dev20260713+nightly
codegen_flags: <defaults>
</compile_context>

<pallas_src>
import functools

import jax
import jax.numpy as jnp
from jax import lax
from jax.experimental import pallas as pl
from jax.experimental.pallas import tpu as pltpu
from jax.experimental.pallas import tpu_sc as plsc

_DIM = 768
_BATCH = 256
_SEQ = 512
_B = _BATCH * _SEQ
_NC = 2
_NS = 16
_NW = _NC * _NS
_BPW = _B // _NW
_CHUNK = 32
_NCHUNK = _BPW // _CHUNK
_NBUF = 4
_NGROUP = _NCHUNK // _NBUF

_mesh = plsc.VectorSubcoreMesh(core_axis_name="c", subcore_axis_name="s")


@functools.partial(
    pl.kernel,
    mesh=_mesh,
    out_type=jax.ShapeDtypeStruct((_B, _DIM), jnp.float32),
    scratch_types=[
        pltpu.VMEM((_NCHUNK, _CHUNK), jnp.int32),
    ] + [pltpu.VMEM((_CHUNK, _DIM), jnp.float32)] * _NBUF
      + [pltpu.SemaphoreType.DMA] * (2 * _NBUF),
)
def _emb_lookup(ids_hbm, table_hbm, out_hbm, idx_v,
                rows0, rows1, rows2, rows3,
                gsem0, gsem1, gsem2, gsem3,
                wsem0, wsem1, wsem2, wsem3):
    rows = (rows0, rows1, rows2, rows3)
    gsem = (gsem0, gsem1, gsem2, gsem3)
    wsem = (wsem0, wsem1, wsem2, wsem3)

    wid = lax.axis_index("s") * _NC + lax.axis_index("c")
    base = wid * _BPW

    pltpu.sync_copy(ids_hbm.at[wid], idx_v)

    def fire_gather(c, b):
        pltpu.async_copy(table_hbm.at[idx_v.at[c]], rows[b], gsem[b])

    def wait_gather(b):
        pltpu.make_async_copy(
            table_hbm.at[idx_v.at[0]], rows[b], gsem[b]).wait()

    def fire_write(c, b):
        pltpu.async_copy(
            rows[b], out_hbm.at[pl.ds(base + c * _CHUNK, _CHUNK)], wsem[b])

    def wait_write(b):
        pltpu.make_async_copy(
            rows[b], out_hbm.at[pl.ds(base, _CHUNK)], wsem[b]).wait()

    for b in range(_NBUF - 1):
        fire_gather(b, b)

    def group(g, _):
        for b in range(_NBUF):
            c = g * _NBUF + b
            pb = (b - 1) % _NBUF
            wait_gather(b)
            fire_write(c, b)
            if b == 0:
                @pl.when(g > 0)
                def _():
                    wait_write(pb)

                fire_gather(c + _NBUF - 1, pb)
            else:

                @pl.when(g + 1 < _NGROUP)
                def _():
                    wait_write(pb)
                    fire_gather(c + _NBUF - 1, pb)

        return ()

    lax.fori_loop(0, _NGROUP, group, ())

    for b in range(_NBUF):
        wait_write(b)


def kernel(table, input_ids):
    ids = input_ids.reshape(_NW, _NCHUNK, _CHUNK).astype(jnp.int32)
    out = _emb_lookup(ids, table)
    return out.reshape(_BATCH, _SEQ, _DIM)

# --- scband reference (transcript-rebuilt; emitter-appended) ---
"""Pipeline reference for scband-word-embedding-model-59133109731922 (READ-ONLY COPY).

The authoritative reference and input builder live on the scoring server;
editing this copy changes nothing except your own understanding.
"""

import jax, jax.numpy as jnp
import numpy as np

VOCAB = 28996
DIM = 768
BATCH = 256
SEQ = 512

def setup_inputs(seed: int = 0) -> dict:
    key = jax.random.key(seed)
    k1, k2 = jax.random.split(key)
    input_ids = jax.random.randint(k1, (BATCH, SEQ), 0, VOCAB, dtype=jnp.int64 if jax.config.jax_enable_x64 else jnp.int32)
    table = jax.random.normal(k2, (VOCAB, DIM), dtype=jnp.float32) * 0.02
    return {"table": table, "input_ids": input_ids}

def reference(table, input_ids):
    # Faithful translation of nn.Embedding forward: row gather from the table.
    return jnp.take(table, input_ids, axis=0)

if __name__ == "__main__":
    import jax
    _d = setup_inputs()
    print(jax.jit(kernel)(*tuple(_d.values())))

</pallas_src>

<mosaic_0001>
#map = affine_map<(d0, d1) -> (0, 0, 0)>
#map1 = affine_map<(d0, d1) -> (0, 0)>
module attributes {stable_mosaic.version = 14 : i64} {
  func.func @_emb_lookup(%arg0: i32, %arg1: i32, %arg2: memref<32x128x32xi32, #tpu.memory_space<hbm>>, %arg3: memref<28996x768xf32, #tpu.memory_space<hbm>>, %arg4: memref<131072x768xf32, #tpu.memory_space<hbm>>, %arg5: memref<128x32xi32, #tpu.memory_space<vmem>>, %arg6: memref<32x768xf32, #tpu.memory_space<vmem>>, %arg7: memref<32x768xf32, #tpu.memory_space<vmem>>, %arg8: memref<32x768xf32, #tpu.memory_space<vmem>>, %arg9: memref<32x768xf32, #tpu.memory_space<vmem>>, %arg10: memref<!tpu.dma_semaphore, #tpu.memory_space<semaphore_mem>>, %arg11: memref<!tpu.dma_semaphore, #tpu.memory_space<semaphore_mem>>, %arg12: memref<!tpu.dma_semaphore, #tpu.memory_space<semaphore_mem>>, %arg13: memref<!tpu.dma_semaphore, #tpu.memory_space<semaphore_mem>>, %arg14: memref<!tpu.dma_semaphore, #tpu.memory_space<semaphore_mem>>, %arg15: memref<!tpu.dma_semaphore, #tpu.memory_space<semaphore_mem>>, %arg16: memref<!tpu.dma_semaphore, #tpu.memory_space<semaphore_mem>>, %arg17: memref<!tpu.dma_semaphore, #tpu.memory_space<semaphore_mem>>) attributes {dimension_semantics = [#tpu.dimension_semantics<core_parallel>, #tpu.dimension_semantics<subcore_parallel>], iteration_bounds = array<i64: 2, 16>, scalar_prefetch = 0 : i64, scratch_operands = 13 : i64, tpu.core_type = #tpu.core_type<sc_vector_subcore>, window_params = [{transform_indices = #map}, {transform_indices = #map1}, {transform_indices = #map1}]} {
    %mul3A = arith.constant 2 : i32
    %mul3A_0 = arith.muli %arg1, %mul3A : i32
    %add3A = arith.addi %mul3A_0, %arg0 : i32
    %mul3A_1 = arith.constant 4096 : i32
    %mul3A_2 = arith.muli %add3A, %mul3A_1 : i32
    "tpu.region"() ({
      %run_scoped3A = tpu.sem_alloc : memref<!tpu.dma_semaphore, #tpu.memory_space<semaphore_mem>>
      %dma_start3A_42 = arith.constant 0 : i32
      %dma_start3A_43 = arith.constant 0 : i32
      %dma_start3A_44 = tpu.memref_slice %arg2[%add3A, %dma_start3A_42, %dma_start3A_43] : memref<32x128x32xi32, #tpu.memory_space<hbm>> -> memref<1x128x32xi32, #tpu.memory_space<hbm>>
      %dma_start3A_45 = tpu.memref_squeeze %dma_start3A_44 : memref<1x128x32xi32, #tpu.memory_space<hbm>> -> memref<128x32xi32, #tpu.memory_space<hbm>>
      %dma_start3A_46 = arith.constant 0 : i32
      %dma_start3A_47 = arith.constant 0 : i32
      %dma_start3A_48 = tpu.memref_slice %arg2[%add3A, %dma_start3A_46, %dma_start3A_47] : memref<32x128x32xi32, #tpu.memory_space<hbm>> -> memref<1x128x32xi32, #tpu.memory_space<hbm>>
      %dma_start3A_49 = tpu.memref_squeeze %dma_start3A_48 : memref<1x128x32xi32, #tpu.memory_space<hbm>> -> memref<128x32xi32, #tpu.memory_space<hbm>>
      tpu.enqueue_dma source(%dma_start3A_49 : memref<128x32xi32, #tpu.memory_space<hbm>>) target(%arg5 : memref<128x32xi32, #tpu.memory_space<vmem>>) target_semaphore(%run_scoped3A : memref<!tpu.dma_semaphore, #tpu.memory_space<semaphore_mem>>)
      %dma_wait3A_50 = arith.constant 0 : i32
      %dma_wait3A_51 = arith.constant 0 : i32
      %dma_wait3A_52 = tpu.memref_slice %arg2[%add3A, %dma_wait3A_50, %dma_wait3A_51] : memref<32x128x32xi32, #tpu.memory_space<hbm>> -> memref<1x128x32xi32, #tpu.memory_space<hbm>>
      %dma_wait3A_53 = tpu.memref_squeeze %dma_wait3A_52 : memref<1x128x32xi32, #tpu.memory_space<hbm>> -> memref<128x32xi32, #tpu.memory_space<hbm>>
      %dma_wait3A_54 = arith.constant 0 : i32
      %dma_wait3A_55 = arith.constant 0 : i32
      %dma_wait3A_56 = tpu.memref_slice %arg2[%add3A, %dma_wait3A_54, %dma_wait3A_55] : memref<32x128x32xi32, #tpu.memory_space<hbm>> -> memref<1x128x32xi32, #tpu.memory_space<hbm>>
      %dma_wait3A_57 = tpu.memref_squeeze %dma_wait3A_56 : memref<1x128x32xi32, #tpu.memory_space<hbm>> -> memref<128x32xi32, #tpu.memory_space<hbm>>
      tpu.wait_dma2 semaphore(%run_scoped3A : memref<!tpu.dma_semaphore, #tpu.memory_space<semaphore_mem>>) src(%dma_wait3A_57 : memref<128x32xi32, #tpu.memory_space<hbm>>) dst(%arg5 : memref<128x32xi32, #tpu.memory_space<vmem>>)
      tpu.yield
    }) : () -> ()
    %dma_start3A = arith.constant 0 : i32
    %dma_start3A_3 = arith.constant 0 : i32
    %dma_start3A_4 = tpu.memref_slice %arg5[%dma_start3A, %dma_start3A_3] : memref<128x32xi32, #tpu.memory_space<vmem>> -> memref<1x32xi32, #tpu.memory_space<vmem>>
    %dma_start3A_5 = tpu.memref_squeeze %dma_start3A_4 : memref<1x32xi32, #tpu.memory_space<vmem>> -> memref<32xi32, #tpu.memory_space<vmem>>
    %dma_start3A_6 = arith.constant 0 : i32
    %dma_start3A_7 = arith.constant 0 : i32
    %dma_start3A_8 = tpu.memref_slice %arg3[%dma_start3A_6, %dma_start3A_7] : memref<28996x768xf32, #tpu.memory_space<hbm>> -> memref<28996x768xf32, #tpu.memory_space<hbm>>
    tpu.enqueue_indirect_dma source(%dma_start3A_8 : memref<28996x768xf32, #tpu.memory_space<hbm>>) target(%arg6 : memref<32x768xf32, #tpu.memory_space<vmem>>) offsets(%dma_start3A_5 : memref<32xi32, #tpu.memory_space<vmem>>) semaphore(%arg10 : memref<!tpu.dma_semaphore, #tpu.memory_space<semaphore_mem>>)
    %dma_start3A_9 = arith.constant 1 : i32
    %dma_start3A_10 = arith.constant 0 : i32
    %dma_start3A_11 = tpu.memref_slice %arg5[%dma_start3A_9, %dma_start3A_10] : memref<128x32xi32, #tpu.memory_space<vmem>> -> memref<1x32xi32, #tpu.memory_space<vmem>>
    %dma_start3A_12 = tpu.memref_squeeze %dma_start3A_11 : memref<1x32xi32, #tpu.memory_space<vmem>> -> memref<32xi32, #tpu.memory_space<vmem>>
    %dma_start3A_13 = arith.constant 0 : i32
    %dma_start3A_14 = arith.constant 0 : i32
    %dma_start3A_15 = tpu.memref_slice %arg3[%dma_start3A_13, %dma_start3A_14] : memref<28996x768xf32, #tpu.memory_space<hbm>> -> memref<28996x768xf32, #tpu.memory_space<hbm>>
    tpu.enqueue_indirect_dma source(%dma_start3A_15 : memref<28996x768xf32, #tpu.memory_space<hbm>>) target(%arg7 : memref<32x768xf32, #tpu.memory_space<vmem>>) offsets(%dma_start3A_12 : memref<32xi32, #tpu.memory_space<vmem>>) semaphore(%arg11 : memref<!tpu.dma_semaphore, #tpu.memory_space<semaphore_mem>>)
    %dma_start3A_16 = arith.constant 2 : i32
    %dma_start3A_17 = arith.constant 0 : i32
    %dma_start3A_18 = tpu.memref_slice %arg5[%dma_start3A_16, %dma_start3A_17] : memref<128x32xi32, #tpu.memory_space<vmem>> -> memref<1x32xi32, #tpu.memory_space<vmem>>
    %dma_start3A_19 = tpu.memref_squeeze %dma_start3A_18 : memref<1x32xi32, #tpu.memory_space<vmem>> -> memref<32xi32, #tpu.memory_space<vmem>>
    %dma_start3A_20 = arith.constant 0 : i32
    %dma_start3A_21 = arith.constant 0 : i32
    %dma_start3A_22 = tpu.memref_slice %arg3[%dma_start3A_20, %dma_start3A_21] : memref<28996x768xf32, #tpu.memory_space<hbm>> -> memref<28996x768xf32, #tpu.memory_space<hbm>>
    tpu.enqueue_indirect_dma source(%dma_start3A_22 : memref<28996x768xf32, #tpu.memory_space<hbm>>) target(%arg8 : memref<32x768xf32, #tpu.memory_space<vmem>>) offsets(%dma_start3A_19 : memref<32xi32, #tpu.memory_space<vmem>>) semaphore(%arg12 : memref<!tpu.dma_semaphore, #tpu.memory_space<semaphore_mem>>)
    %scan3A = arith.constant 0 : i32
    %scan3A_23 = arith.constant 32 : i32
    %scan3A_24 = arith.addi %scan3A, %scan3A_23 : i32
    %scan3A_25 = arith.constant 1 : i32
    scf.for %scan3A_42 = %scan3A to %scan3A_24 step %scan3A_25  : i32 {
      %mul3A_43 = arith.constant 4 : i32
      %mul3A_44 = arith.muli %scan3A_42, %mul3A_43 : i32
      %add3A_45 = arith.constant 0 : i32
      %add3A_46 = arith.addi %mul3A_44, %add3A_45 : i32
      %dma_wait3A_47 = arith.constant 0 : i32
      %dma_wait3A_48 = arith.constant 0 : i32
      %dma_wait3A_49 = tpu.memref_slice %arg5[%dma_wait3A_47, %dma_wait3A_48] : memref<128x32xi32, #tpu.memory_space<vmem>> -> memref<1x32xi32, #tpu.memory_space<vmem>>
      %dma_wait3A_50 = tpu.memref_squeeze %dma_wait3A_49 : memref<1x32xi32, #tpu.memory_space<vmem>> -> memref<32xi32, #tpu.memory_space<vmem>>
      %dma_wait3A_51 = arith.constant 0 : i32
      %dma_wait3A_52 = arith.constant 0 : i32
      %dma_wait3A_53 = tpu.memref_slice %arg3[%dma_wait3A_51, %dma_wait3A_52] : memref<28996x768xf32, #tpu.memory_space<hbm>> -> memref<28996x768xf32, #tpu.memory_space<hbm>>
      tpu.wait_indirect_dma semaphore(%arg10 : memref<!tpu.dma_semaphore, #tpu.memory_space<semaphore_mem>>) src(%dma_wait3A_53 : memref<28996x768xf32, #tpu.memory_space<hbm>>) dst(%arg6 : memref<32x768xf32, #tpu.memory_space<vmem>>)
      %mul3A_54 = arith.constant 32 : i32
      %mul3A_55 = arith.muli %add3A_46, %mul3A_54 : i32
      %add3A_56 = arith.addi %mul3A_2, %mul3A_55 : i32
      %dma_start3A_57 = arith.constant 0 : i32
      %dma_start3A_58 = tpu.memref_slice %arg4[%add3A_56, %dma_start3A_57] : memref<131072x768xf32, #tpu.memory_space<hbm>> -> memref<32x768xf32, #tpu.memory_space<hbm>>
      %dma_start3A_59 = arith.constant 0 : i32
      %dma_start3A_60 = tpu.memref_slice %arg4[%add3A_56, %dma_start3A_59] : memref<131072x768xf32, #tpu.memory_space<hbm>> -> memref<32x768xf32, #tpu.memory_space<hbm>>
      tpu.enqueue_dma source(%arg6 : memref<32x768xf32, #tpu.memory_space<vmem>>) target(%dma_start3A_60 : memref<32x768xf32, #tpu.memory_space<hbm>>) target_semaphore(%arg14 : memref<!tpu.dma_semaphore, #tpu.memory_space<semaphore_mem>>)
      %gt3A = arith.constant 0 : i32
      %gt3A_61 = arith.cmpi sgt, %scan3A_42, %gt3A : i32
      %convert_element_type3A = arith.extui %gt3A_61 : i1 to i32
      %cond3A = arith.constant 0 : i32
      %cond3A_62 = arith.cmpi ne, %convert_element_type3A, %cond3A : i32
      scf.if %cond3A_62 {
        %dma_wait3A_146 = arith.constant 0 : i32
        %dma_wait3A_147 = tpu.memref_slice %arg4[%mul3A_2, %dma_wait3A_146] : memref<131072x768xf32, #tpu.memory_space<hbm>> -> memref<32x768xf32, #tpu.memory_space<hbm>>
        %dma_wait3A_148 = arith.constant 0 : i32
        %dma_wait3A_149 = tpu.memref_slice %arg4[%mul3A_2, %dma_wait3A_148] : memref<131072x768xf32, #tpu.memory_space<hbm>> -> memref<32x768xf32, #tpu.memory_space<hbm>>
        tpu.wait_dma2 semaphore(%arg17 : memref<!tpu.dma_semaphore, #tpu.memory_space<semaphore_mem>>) src(%arg9 : memref<32x768xf32, #tpu.memory_space<vmem>>) dst(%dma_wait3A_149 : memref<32x768xf32, #tpu.memory_space<hbm>>)
      } else {
      }
      %add3A_63 = arith.constant 4 : i32
      %add3A_64 = arith.addi %add3A_46, %add3A_63 : i32
      %sub3A = arith.constant 1 : i32
      %sub3A_65 = arith.subi %add3A_64, %sub3A : i32
      %dma_start3A_66 = arith.constant 0 : i32
      %dma_start3A_67 = tpu.memref_slice %arg5[%sub3A_65, %dma_start3A_66] : memref<128x32xi32, #tpu.memory_space<vmem>> -> memref<1x32xi32, #tpu.memory_space<vmem>>
      %dma_start3A_68 = tpu.memref_squeeze %dma_start3A_67 : memref<1x32xi32, #tpu.memory_space<vmem>> -> memref<32xi32, #tpu.memory_space<vmem>>
      %dma_start3A_69 = arith.constant 0 : i32
      %dma_start3A_70 = arith.constant 0 : i32
      %dma_start3A_71 = tpu.memref_slice %arg3[%dma_start3A_69, %dma_start3A_70] : memref<28996x768xf32, #tpu.memory_space<hbm>> -> memref<28996x768xf32, #tpu.memory_space<hbm>>
      tpu.enqueue_indirect_dma source(%dma_start3A_71 : memref<28996x768xf32, #tpu.memory_space<hbm>>) target(%arg9 : memref<32x768xf32, #tpu.memory_space<vmem>>) offsets(%dma_start3A_68 : memref<32xi32, #tpu.memory_space<vmem>>) semaphore(%arg13 : memref<!tpu.dma_semaphore, #tpu.memory_space<semaphore_mem>>)
      %mul3A_72 = arith.constant 4 : i32
      %mul3A_73 = arith.muli %scan3A_42, %mul3A_72 : i32
      %add3A_74 = arith.constant 1 : i32
      %add3A_75 = arith.addi %mul3A_73, %add3A_74 : i32
      %dma_wait3A_76 = arith.constant 0 : i32
      %dma_wait3A_77 = arith.constant 0 : i32
      %dma_wait3A_78 = tpu.memref_slice %arg5[%dma_wait3A_76, %dma_wait3A_77] : memref<128x32xi32, #tpu.memory_space<vmem>> -> memref<1x32xi32, #tpu.memory_space<vmem>>
      %dma_wait3A_79 = tpu.memref_squeeze %dma_wait3A_78 : memref<1x32xi32, #tpu.memory_space<vmem>> -> memref<32xi32, #tpu.memory_space<vmem>>
      %dma_wait3A_80 = arith.constant 0 : i32
      %dma_wait3A_81 = arith.constant 0 : i32
      %dma_wait3A_82 = tpu.memref_slice %arg3[%dma_wait3A_80, %dma_wait3A_81] : memref<28996x768xf32, #tpu.memory_space<hbm>> -> memref<28996x768xf32, #tpu.memory_space<hbm>>
      tpu.wait_indirect_dma semaphore(%arg11 : memref<!tpu.dma_semaphore, #tpu.memory_space<semaphore_mem>>) src(%dma_wait3A_82 : memref<28996x768xf32, #tpu.memory_space<hbm>>) dst(%arg7 : memref<32x768xf32, #tpu.memory_space<vmem>>)
      %mul3A_83 = arith.constant 32 : i32
      %mul3A_84 = arith.muli %add3A_75, %mul3A_83 : i32
      %add3A_85 = arith.addi %mul3A_2, %mul3A_84 : i32
      %dma_start3A_86 = arith.constant 0 : i32
      %dma_start3A_87 = tpu.memref_slice %arg4[%add3A_85, %dma_start3A_86] : memref<131072x768xf32, #tpu.memory_space<hbm>> -> memref<32x768xf32, #tpu.memory_space<hbm>>
      %dma_start3A_88 = arith.constant 0 : i32
      %dma_start3A_89 = tpu.memref_slice %arg4[%add3A_85, %dma_start3A_88] : memref<131072x768xf32, #tpu.memory_space<hbm>> -> memref<32x768xf32, #tpu.memory_space<hbm>>
      tpu.enqueue_dma source(%arg7 : memref<32x768xf32, #tpu.memory_space<vmem>>) target(%dma_start3A_89 : memref<32x768xf32, #tpu.memory_space<hbm>>) target_semaphore(%arg15 : memref<!tpu.dma_semaphore, #tpu.memory_space<semaphore_mem>>)
      %add3A_90 = arith.constant 1 : i32
      %add3A_91 = arith.addi %scan3A_42, %add3A_90 : i32
      %lt3A = arith.constant 32 : i32
      %lt3A_92 = arith.cmpi slt, %add3A_91, %lt3A : i32
      %convert_element_type3A_93 = arith.extui %lt3A_92 : i1 to i32
      %cond3A_94 = arith.constant 0 : i32
      %cond3A_95 = arith.cmpi ne, %convert_element_type3A_93, %cond3A_94 : i32
      scf.if %cond3A_95 {
        %dma_wait3A_146 = arith.constant 0 : i32
        %dma_wait3A_147 = tpu.memref_slice %arg4[%mul3A_2, %dma_wait3A_146] : memref<131072x768xf32, #tpu.memory_space<hbm>> -> memref<32x768xf32, #tpu.memory_space<hbm>>
        %dma_wait3A_148 = arith.constant 0 : i32
        %dma_wait3A_149 = tpu.memref_slice %arg4[%mul3A_2, %dma_wait3A_148] : memref<131072x768xf32, #tpu.memory_space<hbm>> -> memref<32x768xf32, #tpu.memory_space<hbm>>
        tpu.wait_dma2 semaphore(%arg14 : memref<!tpu.dma_semaphore, #tpu.memory_space<semaphore_mem>>) src(%arg6 : memref<32x768xf32, #tpu.memory_space<vmem>>) dst(%dma_wait3A_149 : memref<32x768xf32, #tpu.memory_space<hbm>>)
        %add3A_150 = arith.constant 4 : i32
        %add3A_151 = arith.addi %add3A_75, %add3A_150 : i32
        %sub3A_152 = arith.constant 1 : i32
        %sub3A_153 = arith.subi %add3A_151, %sub3A_152 : i32
        %dma_start3A_154 = arith.constant 0 : i32
        %dma_start3A_155 = tpu.memref_slice %arg5[%sub3A_153, %dma_start3A_154] : memref<128x32xi32, #tpu.memory_space<vmem>> -> memref<1x32xi32, #tpu.memory_space<vmem>>
        %dma_start3A_156 = tpu.memref_squeeze %dma_start3A_155 : memref<1x32xi32, #tpu.memory_space<vmem>> -> memref<32xi32, #tpu.memory_space<vmem>>
        %dma_start3A_157 = arith.constant 0 : i32
        %dma_start3A_158 = arith.constant 0 : i32
        %dma_start3A_159 = tpu.memref_slice %arg3[%dma_start3A_157, %dma_start3A_158] : memref<28996x768xf32, #tpu.memory_space<hbm>> -> memref<28996x768xf32, #tpu.memory_space<hbm>>
        tpu.enqueue_indirect_dma source(%dma_start3A_159 : memref<28996x768xf32, #tpu.memory_space<hbm>>) target(%arg6 : memref<32x768xf32, #tpu.memory_space<vmem>>) offsets(%dma_start3A_156 : memref<32xi32, #tpu.memory_space<vmem>>) semaphore(%arg10 : memref<!tpu.dma_semaphore, #tpu.memory_space<semaphore_mem>>)
      } else {
      }
      %mul3A_96 = arith.constant 4 : i32
      %mul3A_97 = arith.muli %scan3A_42, %mul3A_96 : i32
      %add3A_98 = arith.constant 2 : i32
      %add3A_99 = arith.addi %mul3A_97, %add3A_98 : i32
      %dma_wait3A_100 = arith.constant 0 : i32
      %dma_wait3A_101 = arith.constant 0 : i32
      %dma_wait3A_102 = tpu.memref_slice %arg5[%dma_wait3A_100, %dma_wait3A_101] : memref<128x32xi32, #tpu.memory_space<vmem>> -> memref<1x32xi32, #tpu.memory_space<vmem>>
      %dma_wait3A_103 = tpu.memref_squeeze %dma_wait3A_102 : memref<1x32xi32, #tpu.memory_space<vmem>> -> memref<32xi32, #tpu.memory_space<vmem>>
      %dma_wait3A_104 = arith.constant 0 : i32
      %dma_wait3A_105 = arith.constant 0 : i32
      %dma_wait3A_106 = tpu.memref_slice %arg3[%dma_wait3A_104, %dma_wait3A_105] : memref<28996x768xf32, #tpu.memory_space<hbm>> -> memref<28996x768xf32, #tpu.memory_space<hbm>>
      tpu.wait_indirect_dma semaphore(%arg12 : memref<!tpu.dma_semaphore, #tpu.memory_space<semaphore_mem>>) src(%dma_wait3A_106 : memref<28996x768xf32, #tpu.memory_space<hbm>>) dst(%arg8 : memref<32x768xf32, #tpu.memory_space<vmem>>)
      %mul3A_107 = arith.constant 32 : i32
      %mul3A_108 = arith.muli %add3A_99, %mul3A_107 : i32
      %add3A_109 = arith.addi %mul3A_2, %mul3A_108 : i32
      %dma_start3A_110 = arith.constant 0 : i32
      %dma_start3A_111 = tpu.memref_slice %arg4[%add3A_109, %dma_start3A_110] : memref<131072x768xf32, #tpu.memory_space<hbm>> -> memref<32x768xf32, #tpu.memory_space<hbm>>
      %dma_start3A_112 = arith.constant 0 : i32
      %dma_start3A_113 = tpu.memref_slice %arg4[%add3A_109, %dma_start3A_112] : memref<131072x768xf32, #tpu.memory_space<hbm>> -> memref<32x768xf32, #tpu.memory_space<hbm>>
      tpu.enqueue_dma source(%arg8 : memref<32x768xf32, #tpu.memory_space<vmem>>) target(%dma_start3A_113 : memref<32x768xf32, #tpu.memory_space<hbm>>) target_semaphore(%arg16 : memref<!tpu.dma_semaphore, #tpu.memory_space<semaphore_mem>>)
      %add3A_114 = arith.constant 1 : i32
      %add3A_115 = arith.addi %scan3A_42, %add3A_114 : i32
      %lt3A_116 = arith.constant 32 : i32
      %lt3A_117 = arith.cmpi slt, %add3A_115, %lt3A_116 : i32
      %convert_element_type3A_118 = arith.extui %lt3A_117 : i1 to i32
      %cond3A_119 = arith.constant 0 : i32
      %cond3A_120 = arith.cmpi ne, %convert_element_type3A_118, %cond3A_119 : i32
      scf.if %cond3A_120 {
        %dma_wait3A_146 = arith.constant 0 : i32
        %dma_wait3A_147 = tpu.memref_slice %arg4[%mul3A_2, %dma_wait3A_146] : memref<131072x768xf32, #tpu.memory_space<hbm>> -> memref<32x768xf32, #tpu.memory_space<hbm>>
        %dma_wait3A_148 = arith.constant 0 : i32
        %dma_wait3A_149 = tpu.memref_slice %arg4[%mul3A_2, %dma_wait3A_148] : memref<131072x768xf32, #tpu.memory_space<hbm>> -> memref<32x768xf32, #tpu.memory_space<hbm>>
        tpu.wait_dma2 semaphore(%arg15 : memref<!tpu.dma_semaphore, #tpu.memory_space<semaphore_mem>>) src(%arg7 : memref<32x768xf32, #tpu.memory_space<vmem>>) dst(%dma_wait3A_149 : memref<32x768xf32, #tpu.memory_space<hbm>>)
        %add3A_150 = arith.constant 4 : i32
        %add3A_151 = arith.addi %add3A_99, %add3A_150 : i32
        %sub3A_152 = arith.constant 1 : i32
        %sub3A_153 = arith.subi %add3A_151, %sub3A_152 : i32
        %dma_start3A_154 = arith.constant 0 : i32
        %dma_start3A_155 = tpu.memref_slice %arg5[%sub3A_153, %dma_start3A_154] : memref<128x32xi32, #tpu.memory_space<vmem>> -> memref<1x32xi32, #tpu.memory_space<vmem>>
        %dma_start3A_156 = tpu.memref_squeeze %dma_start3A_155 : memref<1x32xi32, #tpu.memory_space<vmem>> -> memref<32xi32, #tpu.memory_space<vmem>>
        %dma_start3A_157 = arith.constant 0 : i32
        %dma_start3A_158 = arith.constant 0 : i32
        %dma_start3A_159 = tpu.memref_slice %arg3[%dma_start3A_157, %dma_start3A_158] : memref<28996x768xf32, #tpu.memory_space<hbm>> -> memref<28996x768xf32, #tpu.memory_space<hbm>>
        tpu.enqueue_indirect_dma source(%dma_start3A_159 : memref<28996x768xf32, #tpu.memory_space<hbm>>) target(%arg7 : memref<32x768xf32, #tpu.memory_space<vmem>>) offsets(%dma_start3A_156 : memref<32xi32, #tpu.memory_space<vmem>>) semaphore(%arg11 : memref<!tpu.dma_semaphore, #tpu.memory_space<semaphore_mem>>)
      } else {
      }
      %mul3A_121 = arith.constant 4 : i32
      %mul3A_122 = arith.muli %scan3A_42, %mul3A_121 : i32
      %add3A_123 = arith.constant 3 : i32
      %add3A_124 = arith.addi %mul3A_122, %add3A_123 : i32
      %dma_wait3A_125 = arith.constant 0 : i32
      %dma_wait3A_126 = arith.constant 0 : i32
      %dma_wait3A_127 = tpu.memref_slice %arg5[%dma_wait3A_125, %dma_wait3A_126] : memref<128x32xi32, #tpu.memory_space<vmem>> -> memref<1x32xi32, #tpu.memory_space<vmem>>
      %dma_wait3A_128 = tpu.memref_squeeze %dma_wait3A_127 : memref<1x32xi32, #tpu.memory_space<vmem>> -> memref<32xi32, #tpu.memory_space<vmem>>
      %dma_wait3A_129 = arith.constant 0 : i32
      %dma_wait3A_130 = arith.constant 0 : i32
      %dma_wait3A_131 = tpu.memref_slice %arg3[%dma_wait3A_129, %dma_wait3A_130] : memref<28996x768xf32, #tpu.memory_space<hbm>> -> memref<28996x768xf32, #tpu.memory_space<hbm>>
      tpu.wait_indirect_dma semaphore(%arg13 : memref<!tpu.dma_semaphore, #tpu.memory_space<semaphore_mem>>) src(%dma_wait3A_131 : memref<28996x768xf32, #tpu.memory_space<hbm>>) dst(%arg9 : memref<32x768xf32, #tpu.memory_space<vmem>>)
      %mul3A_132 = arith.constant 32 : i32
      %mul3A_133 = arith.muli %add3A_124, %mul3A_132 : i32
      %add3A_134 = arith.addi %mul3A_2, %mul3A_133 : i32
      %dma_start3A_135 = arith.constant 0 : i32
      %dma_start3A_136 = tpu.memref_slice %arg4[%add3A_134, %dma_start3A_135] : memref<131072x768xf32, #tpu.memory_space<hbm>> -> memref<32x768xf32, #tpu.memory_space<hbm>>
      %dma_start3A_137 = arith.constant 0 : i32
      %dma_start3A_138 = tpu.memref_slice %arg4[%add3A_134, %dma_start3A_137] : memref<131072x768xf32, #tpu.memory_space<hbm>> -> memref<32x768xf32, #tpu.memory_space<hbm>>
      tpu.enqueue_dma source(%arg9 : memref<32x768xf32, #tpu.memory_space<vmem>>) target(%dma_start3A_138 : memref<32x768xf32, #tpu.memory_space<hbm>>) target_semaphore(%arg17 : memref<!tpu.dma_semaphore, #tpu.memory_space<semaphore_mem>>)
      %add3A_139 = arith.constant 1 : i32
      %add3A_140 = arith.addi %scan3A_42, %add3A_139 : i32
      %lt3A_141 = arith.constant 32 : i32
      %lt3A_142 = arith.cmpi slt, %add3A_140, %lt3A_141 : i32
      %convert_element_type3A_143 = arith.extui %lt3A_142 : i1 to i32
      %cond3A_144 = arith.constant 0 : i32
      %cond3A_145 = arith.cmpi ne, %convert_element_type3A_143, %cond3A_144 : i32
      scf.if %cond3A_145 {
        %dma_wait3A_146 = arith.constant 0 : i32
        %dma_wait3A_147 = tpu.memref_slice %arg4[%mul3A_2, %dma_wait3A_146] : memref<131072x768xf32, #tpu.memory_space<hbm>> -> memref<32x768xf32, #tpu.memory_space<hbm>>
        %dma_wait3A_148 = arith.constant 0 : i32
        %dma_wait3A_149 = tpu.memref_slice %arg4[%mul3A_2, %dma_wait3A_148] : memref<131072x768xf32, #tpu.memory_space<hbm>> -> memref<32x768xf32, #tpu.memory_space<hbm>>
        tpu.wait_dma2 semaphore(%arg16 : memref<!tpu.dma_semaphore, #tpu.memory_space<semaphore_mem>>) src(%arg8 : memref<32x768xf32, #tpu.memory_space<vmem>>) dst(%dma_wait3A_149 : memref<32x768xf32, #tpu.memory_space<hbm>>)
        %add3A_150 = arith.constant 4 : i32
        %add3A_151 = arith.addi %add3A_124, %add3A_150 : i32
        %sub3A_152 = arith.constant 1 : i32
        %sub3A_153 = arith.subi %add3A_151, %sub3A_152 : i32
        %dma_start3A_154 = arith.constant 0 : i32
        %dma_start3A_155 = tpu.memref_slice %arg5[%sub3A_153, %dma_start3A_154] : memref<128x32xi32, #tpu.memory_space<vmem>> -> memref<1x32xi32, #tpu.memory_space<vmem>>
        %dma_start3A_156 = tpu.memref_squeeze %dma_start3A_155 : memref<1x32xi32, #tpu.memory_space<vmem>> -> memref<32xi32, #tpu.memory_space<vmem>>
        %dma_start3A_157 = arith.constant 0 : i32
        %dma_start3A_158 = arith.constant 0 : i32
        %dma_start3A_159 = tpu.memref_slice %arg3[%dma_start3A_157, %dma_start3A_158] : memref<28996x768xf32, #tpu.memory_space<hbm>> -> memref<28996x768xf32, #tpu.memory_space<hbm>>
        tpu.enqueue_indirect_dma source(%dma_start3A_159 : memref<28996x768xf32, #tpu.memory_space<hbm>>) target(%arg8 : memref<32x768xf32, #tpu.memory_space<vmem>>) offsets(%dma_start3A_156 : memref<32xi32, #tpu.memory_space<vmem>>) semaphore(%arg12 : memref<!tpu.dma_semaphore, #tpu.memory_space<semaphore_mem>>)
      } else {
      }
    }
    %scan3A_26 = arith.constant 32 : i32
    %dma_wait3A = arith.constant 0 : i32
    %dma_wait3A_27 = tpu.memref_slice %arg4[%mul3A_2, %dma_wait3A] : memref<131072x768xf32, #tpu.memory_space<hbm>> -> memref<32x768xf32, #tpu.memory_space<hbm>>
    %dma_wait3A_28 = arith.constant 0 : i32
    %dma_wait3A_29 = tpu.memref_slice %arg4[%mul3A_2, %dma_wait3A_28] : memref<131072x768xf32, #tpu.memory_space<hbm>> -> memref<32x768xf32, #tpu.memory_space<hbm>>
    tpu.wait_dma2 semaphore(%arg14 : memref<!tpu.dma_semaphore, #tpu.memory_space<semaphore_mem>>) src(%arg6 : memref<32x768xf32, #tpu.memory_space<vmem>>) dst(%dma_wait3A_29 : memref<32x768xf32, #tpu.memory_space<hbm>>)
    %dma_wait3A_30 = arith.constant 0 : i32
    %dma_wait3A_31 = tpu.memref_slice %arg4[%mul3A_2, %dma_wait3A_30] : memref<131072x768xf32, #tpu.memory_space<hbm>> -> memref<32x768xf32, #tpu.memory_space<hbm>>
    %dma_wait3A_32 = arith.constant 0 : i32
    %dma_wait3A_33 = tpu.memref_slice %arg4[%mul3A_2, %dma_wait3A_32] : memref<131072x768xf32, #tpu.memory_space<hbm>> -> memref<32x768xf32, #tpu.memory_space<hbm>>
    tpu.wait_dma2 semaphore(%arg15 : memref<!tpu.dma_semaphore, #tpu.memory_space<semaphore_mem>>) src(%arg7 : memref<32x768xf32, #tpu.memory_space<vmem>>) dst(%dma_wait3A_33 : memref<32x768xf32, #tpu.memory_space<hbm>>)
    %dma_wait3A_34 = arith.constant 0 : i32
    %dma_wait3A_35 = tpu.memref_slice %arg4[%mul3A_2, %dma_wait3A_34] : memref<131072x768xf32, #tpu.memory_space<hbm>> -> memref<32x768xf32, #tpu.memory_space<hbm>>
    %dma_wait3A_36 = arith.constant 0 : i32
    %dma_wait3A_37 = tpu.memref_slice %arg4[%mul3A_2, %dma_wait3A_36] : memref<131072x768xf32, #tpu.memory_space<hbm>> -> memref<32x768xf32, #tpu.memory_space<hbm>>
    tpu.wait_dma2 semaphore(%arg16 : memref<!tpu.dma_semaphore, #tpu.memory_space<semaphore_mem>>) src(%arg8 : memref<32x768xf32, #tpu.memory_space<vmem>>) dst(%dma_wait3A_37 : memref<32x768xf32, #tpu.memory_space<hbm>>)
    %dma_wait3A_38 = arith.constant 0 : i32
    %dma_wait3A_39 = tpu.memref_slice %arg4[%mul3A_2, %dma_wait3A_38] : memref<131072x768xf32, #tpu.memory_space<hbm>> -> memref<32x768xf32, #tpu.memory_space<hbm>>
    %dma_wait3A_40 = arith.constant 0 : i32
    %dma_wait3A_41 = tpu.memref_slice %arg4[%mul3A_2, %dma_wait3A_40] : memref<131072x768xf32, #tpu.memory_space<hbm>> -> memref<32x768xf32, #tpu.memory_space<hbm>>
    tpu.wait_dma2 semaphore(%arg17 : memref<!tpu.dma_semaphore, #tpu.memory_space<semaphore_mem>>) src(%arg9 : memref<32x768xf32, #tpu.memory_space<vmem>>) dst(%dma_wait3A_41 : memref<32x768xf32, #tpu.memory_space<hbm>>)
    return
  }
}

</mosaic_0001>

<sc_bundles>
// kernel: kernel.3.cloned.1.call-start
scs
__scs_entry_jumppad:
0x0: {  	(pc) =	sbr.rel $0x88, $3  }
0x1: {  	(tag) =	ssettag $0x0;
	lr =	simm.s32 $0x1  }
0x2: {  	[smem:$0x3F9F] =	sst lr;
	_ =	strace $0xD0000000  }
0x3: {  	_ = 	snop  }
0x4: {  	_ = 	snop  }
0x5: {  	_ = 	snop  }
0x6: {  	_ = 	snop  }
0x7: {  	_ = 	snop  }
__scs_overlays_trampoline_lowered:
0x8: {  	[smem:$0x3FAE] =	sst s0  }
0x9: {  	[smem:$0x3FAF] =	sst s1  }
0xa: {  	[smem:$0x3FB0] =	sst s2  }
0xb: {  	[smem:$0x3FB1] =	sst s3  }
0xc: {  	[smem:$0x3FB2] =	sst s4  }
0xd: {  	[smem:$0x3FB3] =	sst s5  }
0xe: {  	[smem:$0x3FB4] =	sst s6  }
0xf: {  	[smem:$0x3FB5] =	sst s7  }
0x10: {  	[smem:$0x3FB6] =	sst s8  }
0x11: {  	[smem:$0x3FB7] =	sst s9;
	s0 =	simm.s32 @!p0 $0x0  }
0x12: {  	s1 =	sld [smem:$0x3F9D];
	s0 =	simm.s32 @p0 $0x1  }
0x13: {  	[smem:$0x3FB8] =	sst s0;
	s0 =	simm.s32 @!p1 $0x0  }
0x14: {  	s2 =	sld [smem:$0x3F9C];
	s0 =	simm.s32 @p1 $0x1  }
0x15: {  	[smem:$0x3FB9] =	sst s0;
	s0 =	simm.s32 @!p2 $0x0  }
0x16: {  	s3 =	sld [smem:$0x3FDB];
	s0 =	simm.s32 @p2 $0x1  }
0x17: {  	s4 =	simm.s32 $0x1BF5;
	[smem:$0x3FBB] =	sst s0  }
0x18: {  	s0 =	sld [smem:$0x3F9E];
	_ =	swait.ge [sflag:s4], $0x0  }
0x19: {  	s7 =	sld [smem:$0x3F9F]  }
0x1a: {  	s8 =	sadd.s32 $0xFFFFE003, lr  }
0x1b: {  	s9 =	sadd.s32 $0xFFFFFEF7, lr;
	s5 =	simm.s32 $0xFFFFFFFF;
	p2 =	slt.u32 s8, $0xFFFFF086  }
0x1c: {  	p1 =	slt.u32 s9, $0xF7A;
	s5 =	simm.s32 @!p2 $0x0  }
0x1d: {  	s5 =	simm.s32 @p1 $0x1;
	p0 =	seq.s32 s7, s2  }
0x1e: {  	s7 =	smul.u32 @!p0 $0xF7A, s2;
	p2 =	seq.s32 @!p0 s5, $0x0  }
0x1f: {  	s9 =	smul.u32 $0xF7A, s1;
	s8 =	simm.s32 @!p0 $0x1BF5;
	p2 =	por !p2, p0  }
0x20: {  	[sflag:s8] =	ssyncset.s32 @!p0 $0xFFFFF086;
	s6 =	sadd.s32 @!p0 s3, s7;
	s7 =	simm.s32 @!p0 $0x108  }
0x21: {  	s3 =	sadd.s32 s3, s9;
	s6 =	sadd.s32 @!p0 $0x88, s6;
	s7 =	simm.s32 @p2 $0x1082  }
0x22: {  	[simem:s7], [sflag:s8] =	dma.local @!p0 [hbm:s6], $0xF7A  }
0x23: {  	s9 =	sor.u32 $0xD0000000, s2;
	s6 =	simm.s32 $0x108;
	_ =	swait.ge @!p0 [sflag:s8], $0x0  }
0x24: {  	s3 =	sadd.s32 $0x88, s3;
	s6 =	simm.s32 @!p1 $0x1082;
	[sflag:s4] =	ssyncset.s32 $0xFFFFF086  }
0x25: {  	[simem:s6], [sflag:s4] =	dma.local [hbm:s3], $0xF7A  }
0x26: {  	[smem:$0x3F9F] =	sst s1;
	(tag) =	ssettag s2;
	_ =	strace s9  }
0x27: {  	s1 =	sld [smem:$0x3FAF]  }
0x28: {  	s2 =	sld [smem:$0x3FB0]  }
0x29: {  	s4 =	sld [smem:$0x3FB2]  }
0x2a: {  	p0 =	seq.s32 s5, $0x0;
	s5 =	sld [smem:$0x3FB3]  }
0x2b: {  	s6 =	sld [smem:$0x3FB4]  }
0x2c: {  	s7 =	sld [smem:$0x3FB5]  }
0x2d: {  	s3 =	simm.s32 $0x108;
	s8 =	sld [smem:$0x3FB6]  }
0x2e: {  	s3 =	simm.s32 @!p0 $0x1082;
	s9 =	sld [smem:$0x3FB7]  }
0x2f: {  	lr =	sadd.s32 s0, s3;
	s0 =	sld [smem:$0x3FAE]  }
0x30: {  	s3 =	sld [smem:$0x3FB1]  }
0x31: {  	[smem:$0x3FBA] =	sst s10  }
0x32: {  	s10 =	sld [smem:$0x3FB8];
	_ =	sdelay $0x3  }
0x33: {  	p0 =	seq.s32 s10, $0x1;
	s10 =	sld [smem:$0x3FBA];
	_ =	sdelay $0x3  }
0x34: {  	[smem:$0x3FBA] =	sst s10  }
0x35: {  	s10 =	sld [smem:$0x3FB9];
	_ =	sdelay $0x3  }
0x36: {  	p1 =	seq.s32 s10, $0x1;
	s10 =	sld [smem:$0x3FBA];
	_ =	sdelay $0x3  }
0x37: {  	[smem:$0x3FBA] =	sst s10  }
0x38: {  	s10 =	sld [smem:$0x3FBB]  }
0x39: {  	_ = 	snop;
	(pc) =	sbr.ind lr, $3  }
0x3a: {  	_ = 	snop  }
0x3b: {  	_ = 	snop  }
0x3c: {  	p2 =	seq.s32 s10, $0x1;
	s10 =	sld [smem:$0x3FBA]  }
0x3d: {  	_ =	shalt  }
0x3e: {  	_ =	shalt  }
0x3f: {  	_ =	shalt  }
0x40: {  	_ =	shalt  }
0x41: {  	_ =	shalt  }
0x42: {  	_ =	shalt  }
0x43: {  	_ =	shalt  }
0x44: {  	_ =	shalt  }
0x45: {  	_ =	shalt  }
0x46: {  	_ =	shalt  }
0x47: {  	_ =	shalt  }
0x48: {  	_ =	shalt  }
0x49: {  	_ =	shalt  }
0x4a: {  	_ =	shalt  }
0x4b: {  	_ =	shalt  }
0x4c: {  	_ =	shalt  }
0x4d: {  	_ =	shalt  }
0x4e: {  	_ =	shalt  }
0x4f: {  	_ =	shalt  }
0x50: {  	_ =	shalt  }
0x51: {  	_ =	shalt  }
0x52: {  	_ =	shalt  }
0x53: {  	_ =	shalt  }
0x54: {  	_ =	shalt  }
0x55: {  	_ =	shalt  }
0x56: {  	_ =	shalt  }
0x57: {  	_ =	shalt  }
0x58: {  	_ =	shalt  }
0x59: {  	_ =	shalt  }
0x5a: {  	_ =	shalt  }
0x5b: {  	_ =	shalt  }
0x5c: {  	_ =	shalt  }
0x5d: {  	_ =	shalt  }
0x5e: {  	_ =	shalt  }
0x5f: {  	_ =	shalt  }
0x60: {  	_ =	shalt  }
0x61: {  	_ =	shalt  }
0x62: {  	_ =	shalt  }
0x63: {  	_ =	shalt  }
0x64: {  	_ =	shalt  }
0x65: {  	_ =	shalt  }
0x66: {  	_ =	shalt  }
0x67: {  	_ =	shalt  }
0x68: {  	_ =	shalt  }
0x69: {  	_ =	shalt  }
0x6a: {  	_ =	shalt  }
0x6b: {  	_ =	shalt  }
0x6c: {  	_ =	shalt  }
0x6d: {  	_ =	shalt  }
0x6e: {  	_ =	shalt  }
0x6f: {  	_ =	shalt  }
0x70: {  	_ =	shalt  }
0x71: {  	_ =	shalt  }
0x72: {  	_ =	shalt  }
0x73: {  	_ =	shalt  }
0x74: {  	_ =	shalt  }
0x75: {  	_ =	shalt  }
0x76: {  	_ =	shalt  }
0x77: {  	_ =	shalt  }
0x78: {  	_ =	shalt  }
0x79: {  	_ =	shalt  }
0x7a: {  	_ =	shalt  }
0x7b: {  	_ =	shalt  }
0x7c: {  	_ =	shalt  }
0x7d: {  	_ =	shalt  }
0x7e: {  	_ =	shalt  }
0x7f: {  	_ =	shalt  }
0x80: {  	_ =	shalt  }
0x81: {  	_ =	shalt  }
0x82: {  	_ =	shalt  }
0x83: {  	_ =	shalt  }
0x84: {  	_ =	shalt  }
0x85: {  	_ =	shalt  }
0x86: {  	_ =	shalt  }
0x87: {  	_ =	shalt  }
.Lfunc_end0:
.L_simem_size_0:
called_computation_lowered:
.L_overlay_start_0:
0x88: {  	s2 =	sld [smem:$0x3FD9]  }
0x89: {  	s3 =	sld [smem:$0x3FFE];
	_ =	sdelay $0x1  }
0x8a: {  	s1 =	srdreg.scid  }
0x8b: {  	s0 =	sand.u32 $0x1, s1  }
0x8c: {  	s17 =	sshll.u32 s0, $0xA;
	s2 =	sadd.s32 s3, s2  }
0x8d: {  	s2 =	sadd.s32 s2, s17  }
0x8e: {  	[smem:$0x3FC6] =	sst s2  }
0x8f: {  	_ = 	snop  }
0x90: {  	s2 =	sld [smem:$0x3FC9]  }
0x91: {  	s18 =	sld [smem:$0x3FD0];
	(tm) =	ssettm $0x1  }
0x92: {  	s4 =	sld [smem:$0x3FFB];
	_ =	sdelay $0x3  }
0x93: {  	_ =	strace s4  }
0x94: {  	s4 =	sld [smem:$0x3FFC];
	_ =	sdelay $0x3  }
0x95: {  	_ =	strace s4  }
0x96: {  	s4 =	sld [smem:$0x3FFD];
	_ =	sdelay $0x3  }
0x97: {  	_ =	strace s4  }
0x98: {  	_ =	strace $0x8FFFFFFF  }
0x99: {  	s19 =	sld [smem:$0x3FDB];
	_ =	sdelay $0x1  }
0x9a: {  	s5 =	simm.s32 $_scs_section_size  }
0x9b: {  	s6 =	simm.s32 $_size__tile_overlayer_lowered;
	s7 =	simm.s32 $_tile_overlayer_lowered  }
0x9c: {  	s22 =	simm.s32 $0x1BFF;
	s21 =	sshll.u32 s7, $0x1;
	s4 =	sadd.s32 s5, s19  }
0x9d: {  	s8 =	simm.s32 $0x0;
	s20 =	sshll.u32 s6, $0x1;
	s6 =	sadd.s32 s21, s4  }
0x9e: {  	[timem:s8], [sflag:s22] =	dma.local [hbm:s6], s20  }
0x9f: {  	_ =	swait.ge [sflag:s22], s20  }
0xa0: {  	s5 =	ssub.s32 $0x0, s20;
	[sflag:s22] =	ssyncset.done $0x0  }
0xa1: {  	[sflag:s22] =	ssyncadd.s32 s5;
	_ =	sdelay $0x1  }
0xa2: {  	s23 =	simm.s32 $0x1B8B  }
0xa3: {  	_ =	swait.ge [sflag:s23], $0x1  }
0xa4: {  	[sflag:s23] =	ssyncset.done $0x0  }
0xa5: {  	s25 =	simm.s32 $0x1B8E;
	s24 =	sld [smem:$0x3FFE];
	[sflag:s23] =	ssyncadd.s32 $0xFFFFFFFF  }
0xa6: {  	s26 =	simm.s32 $execute0_lowered;
	[smem:$0x3FD2] =	sst s25  }
0xa7: {  	s6 =	sshll.u32 s26, $0x1;
	_ =	strace $0x80000046;
	[dreg:$0x1] =	wrdreg $0xFFFFFFFF  }
0xa8: {  	s28 =	simm.s32 $_size_execute0_lowered;
	s4 =	sadd.s32 s4, s6;
	[dreg:$0x0] =	wrdreg $0x0  }
0xa9: {  	s6 =	sshll.u32 s28, $0x1;
	[dreg:$0x2] =	wrdreg s4  }
0xaa: {  	[dreg:$0x3] =	wrdreg s6  }
0xab: {  	[dreg:$0x4] =	wrdreg $0xC0  }
0xac: {  	_ =	task [dreg:s8], $0x5FFFF  }
0xad: {  	[dreg:$0x1] =	wrdreg $0xFFFFFFFF  }
0xae: {  	[dreg:$0x0] =	wrdreg $0x60  }
0xaf: {  	[dreg:$0x2] =	wrdreg s24  }
0xb0: {  	[dreg:$0x3] =	wrdreg s2  }
0xb1: {  	[dreg:$0x4] =	wrdreg s18  }
0xb2: {  	[dreg:$0x5] =	wrdreg $0x9  }
0xb3: {  	_ =	task.clear_ibuf [dreg:s8], $0x6FFFF;
	_ =	strace $0x90000046  }
0xb4: {  	s29 =	simm.s32 $0x9;
	_ =	strace $0x80000048  }
0xb5: {  	_ =	swait.ge [sflag:s29], $0x1  }
0xb6: {  	[sflag:s29] =	ssyncadd.s32 $0xFFFFFFFF  }
0xb7: {  	_ =	strace $0x90000048  }
0xb8: {  	_ =	sfence  }
0xb9: {  	s30 =	sld [smem:$0x0];
	_ =	sdelay $0x2  }
0xba: {  	s31 =	sshll.u32 s1, $0xD;
	s1 =	sshrl.u32 s1, $0x2  }
0xbb: {  	s3 =	sand.u32 $0x4000, s31;
	s1 =	sadd.s32 s1, s30  }
0xbc: {  	s0 =	sor.u32 s3, s0;
	s1 =	sshll.u32 s1, $0x11  }
0xbd: {  	s0 =	sor.u32 s1, s0  }
0xbe: {  	s0 =	sadd.s32 $0x8F2B, s0  }
0xbf: {  	[sflag:s0] =	ssyncadd.remote.s32 $0x1  }
0xc0: {  	_ =	sfence.sel $0xFFFF  }
0xc1: {  	[dreg:$0x0] =	wrdreg $0xFFFFFFFF;
	(pc) =	sbr.abs _section_cstart, $3  }
0xc2: {  	[dreg:$0x1] =	wrdreg $0xFFFFFFFF  }
0xc3: {  	_ =	task.clear_ibuf [dreg:s8], $0x2FFFF;
	_ =	strace $0x9FFFFFFF  }
0xc4: {  	(tm) =	ssettm $0x7FFFFFFF  }
0xc5: {  	_ =	shalt  }
tec
execute0_lowered:
.L_overlay_start_1:
0x0: {  	(tag) =	ssettag $0x1  }
0x1: {  	s0 =	rddreg [dreg:$0x0]  }
0x2: {  	s1 =	rddreg [dreg:$0x1]  }
0x3: {  	s2 =	rddreg [dreg:$0x2];
	s4 =	srdreg.scid  }
0x4: {  	s3 =	simm.s32 $0x0;
	s7 =	stileid.u32;
	s11 =	simm.s32 $0x4000  }
0x5: {  	s10 =	simm.s32 $0x10000;
	s12 =	simm.s32 $0x1;
	s13 =	simm.s32 $0x16000  }
0x6: {  	s14 =	simm.s32 $0x16800;
	s15 =	simm.s32 $0x17000;
	s16 =	simm.s32 $0x17800  }
0x7: {  	s17 =	simm.s32 $0x18000;
	s18 =	simm.s32 $0x18800;
	s19 =	simm.s32 $0x19000  }
0x8: {  	s20 =	simm.s32 $0x19800;
	s28 =	simm.s32 $0x3;
	s29 =	simm.s32 $0x4  }
0x9: {  	s30 =	simm.s32 $0x5;
	s31 =	simm.s32 $0x6;
	s4 =	sand.u32 $0x1, s4  }
0xa: {  	[smem:$0x7FF] =	sst s3;
	s5 =	sshll.u32 s7, $0xD;
	s7 =	sshll.u32 s7, $0xC  }
0xb: {  	s6 =	sshll.u32 s4, $0xC;
	s8 =	sshll.u32 s4, $0xB;
	_ =	strace $0x80000047  }
0xc: {  	s4 =	ssub.s32 $0x2, s4;
	s5 =	sor.u32 s6, s5;
	s21 =	sor.u32 s8, s7  }
0xd: {  	s24 =	sshrl.u32 s4, $0x1;
	s6 =	sadd.s32 $0x200, s1;
	s22 =	sor.u32 $0x60, s5  }
0xe: {  	s0 =	sadd.s32 s21, s0;
	s5 =	sshrl.u32 s5, $0x3;
	s4 =	ssub.s32 s4, s24  }
0xf: {  	s21 =	simm.s32 $0x1A000;
	s24 =	simm.s32 $0x1B000;
	s26 =	smul.u32 $0x300, s5  }
.Ltmp0:
0x10: {  	s23 =	sshrl.u32 s22, $0x3;
	s0 =	sadd.s32 $0x400, s0;
	(pc) =	sbr.rel .LBB2_1-.Ltmp0, $4  }
0x11: {  	s5 =	sadd.s32 $0x100, s1;
	s4 =	smax.u32 s4, $0x1;
	[dreg:$0x4] =	wrdreg s0  }
0x12: {  	v2 =	vlaneseq.u32;
	s22 =	simm.s32 $0x1A800;
	s25 =	smul.u32 $0x300, s23;
	[dreg:$0x5] =	wrdreg s4  }
0x13: {  	vm0 =	vmmov $0xffff;
	v1 =	vshrl.u32 v2, $0x3;
	s23 =	simm.s32 $0xA000;
	s4 =	simm.s32 $0x0;
	s9 =	sadd.s32 s26, s2  }
0x14: {  	v0 =	vand.u32 $0x7, v2;
	v2 =	vor.u32 $0x8, v2;
	v1 =	vmul.u32 $0x8, v1;
	s26 =	simm.s32 $0x2;
	s8 =	sadd.s32 s25, s2;
	s25 =	simm.s32 $0x1B800  }
.LBB2_6:
0x15: {  	_ =	swait.ge [sflag:s30], $0x6000  }
0x16: {  	[sflag:s30] =	ssyncset.done $0x0  }
0x17: {  	[sflag:s30] =	ssyncadd.s32 $0xFFFFA000  }
0x18: {  	_ =	swait.ge [sflag:s31], $0x6000  }
0x19: {  	[sflag:s31] =	ssyncset.done $0x0  }
0x1a: {  	s0 =	simm.s32 $0x7;
	[sflag:s31] =	ssyncadd.s32 $0xFFFFA000  }
0x1b: {  	_ =	swait.ge [sflag:s0], $0x6000  }
0x1c: {  	[sflag:s0] =	ssyncset.done $0x0  }
0x1d: {  	s2 =	simm.s32 $0x8;
	[sflag:s0] =	ssyncadd.s32 $0xFFFFA000  }
0x1e: {  	_ =	swait.ge [sflag:s2], $0x6000  }
0x1f: {  	s4 =	rddreg [dreg:$0x6]  }
0x20: {  	s7 =	rddreg [dreg:$0x5];
	s4 =	sadd.s32 $0x1, s4  }
0x21: {  	p0 =	sne.s32 s4, s7  }
.Ltmp1:
0x22: {  	_ = 	snop;
	(pc) =	sbr.rel @!p0 .LBB2_7-.Ltmp1, $3  }
0x23: {  	_ =	sdelay $0x1  }
0x24: {  	[sflag:s2] =	ssyncset.done $0x0  }
0x25: {  	[sflag:s2] =	ssyncadd.s32 $0xFFFFA000  }
.LBB2_1:
0x26: {  	[dreg:$0x6] =	wrdreg s4  }
0x27: {  	s0 =	rddreg [dreg:$0x4];
	s7 =	simm.s32 $0x9  }
0x28: {  	[tilespmem:s3], [sflag:$0x9] =	stream.linear.gather [hbm4b:s0+s3], $0x4000, $0x38;
	[tilespmem:$0x1C000] =	vst v63  }
0x29: {  	_ =	swait.ge [sflag:s7], $0x4000  }
0x2a: {  	[sflag:s7] =	ssyncset.done $0x0  }
0x2b: {  	[sflag:s7] =	ssyncadd.s32 $0xFFFFC000  }
0x2c: {  	v3 =	vld [tilespmem:$0x0];
	_ =	sdelay $0x4  }
0x2d: {  	v4 =	vshrl.u32 v3, $0x3  }
0x2e: {  	v4 =	vmul.u32 $0x30, v4  }
0x2f: {  	v3 =	vand.u32 $0x7, v3  }
0x30: {  	v3 =	vor.u32 v3, v4  }
0x31: {  	v4 =	vperm.xlane v3, v0;
	_ =	sdelay $0x1  }
0x32: {  	v4 =	vadd.s32 v1, v4;
	_ =	sdelay $0x3  }
0x33: {  	v3 =	vperm.xlane v3, v2  }
0x34: {  	[tilespmem:s11], [sflag:$0x1] =	stream.indirect_vreg.gather [hbm4b:s1+s3], $0x80, v4, vm0, $0xb8;
	[tilespmem:$0x1C000] =	vst v63  }
0x35: {  	s2 =	simm.s32 $0x4800;
	v3 =	vadd.s32 v1, v3  }
0x36: {  	[tilespmem:s2], [sflag:$0x1] =	stream.indirect_vreg.gather [hbm4b:s5+s3], $0x80, v4, vm0, $0xb8;
	[tilespmem:$0x1C000] =	vst v63  }
0x37: {  	s4 =	simm.s32 $0x5000  }
0x38: {  	[tilespmem:s4], [sflag:$0x1] =	stream.indirect_vreg.gather [hbm4b:s6+s3], $0x80, v4, vm0, $0xb8;
	[tilespmem:$0x1C000] =	vst v63  }
0x39: {  	s7 =	simm.s32 $0x5800  }
0x3a: {  	[tilespmem:s7], [sflag:$0x1] =	stream.indirect_vreg.gather [hbm4b:s1+s3], $0x80, v3, vm0, $0xb8;
	[tilespmem:$0x1C000] =	vst v63  }
0x3b: {  	s2 =	simm.s32 $0x6000  }
0x3c: {  	[tilespmem:s2], [sflag:$0x1] =	stream.indirect_vreg.gather [hbm4b:s5+s3], $0x80, v3, vm0, $0xb8;
	[tilespmem:$0x1C000] =	vst v63  }
0x3d: {  	s4 =	simm.s32 $0x6800  }
0x3e: {  	[tilespmem:s4], [sflag:$0x1] =	stream.indirect_vreg.gather [hbm4b:s6+s3], $0x80, v3, vm0, $0xb8;
	[tilespmem:$0x1C000] =	vst v63  }
0x3f: {  	v3 =	vld [tilespmem:$0x10];
	_ =	sdelay $0x4  }
0x40: {  	v59 =	vshrl.u32 v3, $0x3  }
0x41: {  	v4 =	vmul.u32 $0x30, v59  }
0x42: {  	v3 =	vand.u32 $0x7, v3  }
0x43: {  	v3 =	vor.u32 v3, v4  }
0x44: {  	v4 =	vperm.xlane v3, v0;
	_ =	sdelay $0x1  }
0x45: {  	v4 =	vadd.s32 v1, v4;
	_ =	sdelay $0x3  }
0x46: {  	s7 =	simm.s32 $0x7000;
	v3 =	vperm.xlane v3, v2  }
0x47: {  	[tilespmem:s7], [sflag:$0x1] =	stream.indirect_vreg.gather [hbm4b:s1+s3], $0x80, v4, vm0, $0xb8;
	[tilespmem:$0x1C000] =	vst v63  }
0x48: {  	s2 =	simm.s32 $0x7800;
	v3 =	vadd.s32 v1, v3  }
0x49: {  	[tilespmem:s2], [sflag:$0x1] =	stream.indirect_vreg.gather [hbm4b:s5+s3], $0x80, v4, vm0, $0xb8;
	[tilespmem:$0x1C000] =	vst v63  }
0x4a: {  	s4 =	simm.s32 $0x8000  }
0x4b: {  	[tilespmem:s4], [sflag:$0x1] =	stream.indirect_vreg.gather [hbm4b:s6+s3], $0x80, v4, vm0, $0xb8;
	[tilespmem:$0x1C000] =	vst v63  }
0x4c: {  	s7 =	simm.s32 $0x8800  }
0x4d: {  	[tilespmem:s7], [sflag:$0x1] =	stream.indirect_vreg.gather [hbm4b:s1+s3], $0x80, v3, vm0, $0xb8;
	[tilespmem:$0x1C000] =	vst v63  }
0x4e: {  	s2 =	simm.s32 $0x9000  }
0x4f: {  	[tilespmem:s2], [sflag:$0x1] =	stream.indirect_vreg.gather [hbm4b:s5+s3], $0x80, v3, vm0, $0xb8;
	[tilespmem:$0x1C000] =	vst v63  }
0x50: {  	s4 =	simm.s32 $0x9800  }
0x51: {  	[tilespmem:s4], [sflag:$0x1] =	stream.indirect_vreg.gather [hbm4b:s6+s3], $0x80, v3, vm0, $0xb8;
	[tilespmem:$0x1C000] =	vst v63  }
0x52: {  	v3 =	vld [tilespmem:$0x80];
	_ =	sdelay $0x4  }
0x53: {  	v60 =	vshrl.u32 v3, $0x3  }
0x54: {  	v4 =	vmul.u32 $0x30, v60  }
0x55: {  	v3 =	vand.u32 $0x7, v3  }
0x56: {  	v3 =	vor.u32 v3, v4  }
0x57: {  	v4 =	vperm.xlane v3, v0;
	_ =	sdelay $0x1  }
0x58: {  	v4 =	vadd.s32 v1, v4;
	_ =	sdelay $0x3  }
0x59: {  	v3 =	vperm.xlane v3, v2  }
0x5a: {  	[tilespmem:s23], [sflag:$0x2] =	stream.indirect_vreg.gather [hbm4b:s1+s3], $0x80, v4, vm0, $0xb8;
	[tilespmem:$0x1C000] =	vst v63  }
0x5b: {  	s7 =	simm.s32 $0xA800;
	v3 =	vadd.s32 v1, v3  }
0x5c: {  	[tilespmem:s7], [sflag:$0x2] =	stream.indirect_vreg.gather [hbm4b:s5+s3], $0x80, v4, vm0, $0xb8;
	[tilespmem:$0x1C000] =	vst v63  }
0x5d: {  	s2 =	simm.s32 $0xB000  }
0x5e: {  	[tilespmem:s2], [sflag:$0x2] =	stream.indirect_vreg.gather [hbm4b:s6+s3], $0x80, v4, vm0, $0xb8;
	[tilespmem:$0x1C000] =	vst v63  }
0x5f: {  	s4 =	simm.s32 $0xB800  }
0x60: {  	[tilespmem:s4], [sflag:$0x2] =	stream.indirect_vreg.gather [hbm4b:s1+s3], $0x80, v3, vm0, $0xb8;
	[tilespmem:$0x1C000] =	vst v63  }
0x61: {  	s7 =	simm.s32 $0xC000  }
0x62: {  	[tilespmem:s7], [sflag:$0x2] =	stream.indirect_vreg.gather [hbm4b:s5+s3], $0x80, v3, vm0, $0xb8;
	[tilespmem:$0x1C000] =	vst v63  }
0x63: {  	s2 =	simm.s32 $0xC800  }
0x64: {  	[tilespmem:s2], [sflag:$0x2] =	stream.indirect_vreg.gather [hbm4b:s6+s3], $0x80, v3, vm0, $0xb8;
	[tilespmem:$0x1C000] =	vst v63  }
0x65: {  	v3 =	vld [tilespmem:$0x90];
	_ =	sdelay $0x4  }
0x66: {  	v61 =	vshrl.u32 v3, $0x3  }
0x67: {  	v4 =	vmul.u32 $0x30, v61  }
0x68: {  	v3 =	vand.u32 $0x7, v3  }
0x69: {  	v3 =	vor.u32 v3, v4  }
0x6a: {  	v4 =	vperm.xlane v3, v0;
	_ =	sdelay $0x1  }
0x6b: {  	v4 =	vadd.s32 v1, v4;
	_ =	sdelay $0x3  }
0x6c: {  	s4 =	simm.s32 $0xD000;
	v3 =	vperm.xlane v3, v2  }
0x6d: {  	[tilespmem:s4], [sflag:$0x2] =	stream.indirect_vreg.gather [hbm4b:s1+s3], $0x80, v4, vm0, $0xb8;
	[tilespmem:$0x1C000] =	vst v63  }
0x6e: {  	s7 =	simm.s32 $0xD800;
	v3 =	vadd.s32 v1, v3  }
0x6f: {  	[tilespmem:s7], [sflag:$0x2] =	stream.indirect_vreg.gather [hbm4b:s5+s3], $0x80, v4, vm0, $0xb8;
	[tilespmem:$0x1C000] =	vst v63  }
0x70: {  	s2 =	simm.s32 $0xE000  }
0x71: {  	[tilespmem:s2], [sflag:$0x2] =	stream.indirect_vreg.gather [hbm4b:s6+s3], $0x80, v4, vm0, $0xb8;
	[tilespmem:$0x1C000] =	vst v63  }
0x72: {  	s4 =	simm.s32 $0xE800  }
0x73: {  	[tilespmem:s4], [sflag:$0x2] =	stream.indirect_vreg.gather [hbm4b:s1+s3], $0x80, v3, vm0, $0xb8;
	[tilespmem:$0x1C000] =	vst v63  }
0x74: {  	s7 =	simm.s32 $0xF000  }
0x75: {  	[tilespmem:s7], [sflag:$0x2] =	stream.indirect_vreg.gather [hbm4b:s5+s3], $0x80, v3, vm0, $0xb8;
	[tilespmem:$0x1C000] =	vst v63  }
0x76: {  	s2 =	simm.s32 $0xF800  }
0x77: {  	[tilespmem:s2], [sflag:$0x2] =	stream.indirect_vreg.gather [hbm4b:s6+s3], $0x80, v3, vm0, $0xb8;
	[tilespmem:$0x1C000] =	vst v63  }
0x78: {  	v3 =	vld [tilespmem:$0x100];
	_ =	sdelay $0x4  }
0x79: {  	v62 =	vshrl.u32 v3, $0x3  }
0x7a: {  	v4 =	vmul.u32 $0x30, v62  }
0x7b: {  	v3 =	vand.u32 $0x7, v3  }
0x7c: {  	v3 =	vor.u32 v3, v4  }
0x7d: {  	v4 =	vperm.xlane v3, v0;
	_ =	sdelay $0x1  }
0x7e: {  	v4 =	vadd.s32 v1, v4;
	_ =	sdelay $0x3  }
0x7f: {  	v3 =	vperm.xlane v3, v2  }
0x80: {  	[tilespmem:s10], [sflag:$0x3] =	stream.indirect_vreg.gather [hbm4b:s1+s3], $0x80, v4, vm0, $0xb8;
	[tilespmem:$0x1C000] =	vst v63  }
0x81: {  	s4 =	simm.s32 $0x10800;
	v3 =	vadd.s32 v1, v3  }
0x82: {  	[tilespmem:s4], [sflag:$0x3] =	stream.indirect_vreg.gather [hbm4b:s5+s3], $0x80, v4, vm0, $0xb8;
	[tilespmem:$0x1C000] =	vst v63  }
0x83: {  	s7 =	simm.s32 $0x11000  }
0x84: {  	[tilespmem:s7], [sflag:$0x3] =	stream.indirect_vreg.gather [hbm4b:s6+s3], $0x80, v4, vm0, $0xb8;
	[tilespmem:$0x1C000] =	vst v63  }
0x85: {  	s2 =	simm.s32 $0x11800  }
0x86: {  	[tilespmem:s2], [sflag:$0x3] =	stream.indirect_vreg.gather [hbm4b:s1+s3], $0x80, v3, vm0, $0xb8;
	[tilespmem:$0x1C000] =	vst v63  }
0x87: {  	s4 =	simm.s32 $0x12000  }
0x88: {  	[tilespmem:s4], [sflag:$0x3] =	stream.indirect_vreg.gather [hbm4b:s5+s3], $0x80, v3, vm0, $0xb8;
	[tilespmem:$0x1C000] =	vst v63  }
0x89: {  	s7 =	simm.s32 $0x12800  }
0x8a: {  	[tilespmem:s7], [sflag:$0x3] =	stream.indirect_vreg.gather [hbm4b:s6+s3], $0x80, v3, vm0, $0xb8;
	[tilespmem:$0x1C000] =	vst v63  }
0x8b: {  	v3 =	vld [tilespmem:$0x110];
	_ =	sdelay $0x4  }
0x8c: {  	v63 =	vshrl.u32 v3, $0x3  }
0x8d: {  	v4 =	vmul.u32 $0x30, v63  }
0x8e: {  	v3 =	vand.u32 $0x7, v3  }
0x8f: {  	v3 =	vor.u32 v3, v4  }
0x90: {  	v4 =	vperm.xlane v3, v0;
	_ =	sdelay $0x1  }
0x91: {  	v4 =	vadd.s32 v1, v4;
	_ =	sdelay $0x3  }
0x92: {  	s2 =	simm.s32 $0x13000;
	v3 =	vperm.xlane v3, v2  }
0x93: {  	[tilespmem:s2], [sflag:$0x3] =	stream.indirect_vreg.gather [hbm4b:s1+s3], $0x80, v4, vm0, $0xb8;
	[tilespmem:$0x1C000] =	vst v63  }
0x94: {  	s4 =	simm.s32 $0x13800;
	v3 =	vadd.s32 v1, v3  }
0x95: {  	[tilespmem:s4], [sflag:$0x3] =	stream.indirect_vreg.gather [hbm4b:s5+s3], $0x80, v4, vm0, $0xb8;
	[tilespmem:$0x1C000] =	vst v63  }
0x96: {  	s7 =	simm.s32 $0x14000  }
0x97: {  	[tilespmem:s7], [sflag:$0x3] =	stream.indirect_vreg.gather [hbm4b:s6+s3], $0x80, v4, vm0, $0xb8;
	[tilespmem:$0x1C000] =	vst v63  }
0x98: {  	s2 =	simm.s32 $0x14800  }
0x99: {  	[tilespmem:s2], [sflag:$0x3] =	stream.indirect_vreg.gather [hbm4b:s1+s3], $0x80, v3, vm0, $0xb8;
	[tilespmem:$0x1C000] =	vst v63  }
.Ltmp2:
0x9a: {  	_ = 	snop;
	(pc) =	sbr.rel .LBB2_2-.Ltmp2, $4  }
0x9b: {  	s4 =	simm.s32 $0x15000  }
0x9c: {  	[tilespmem:s4], [sflag:$0x3] =	stream.indirect_vreg.gather [hbm4b:s5+s3], $0x80, v3, vm0, $0xb8;
	[tilespmem:$0x1C000] =	vst v63  }
0x9d: {  	s0 =	simm.s32 $0x190;
	s7 =	simm.s32 $0x15800;
	s2 =	simm.s32 $0x0  }
0x9e: {  	[tilespmem:s7], [sflag:$0x3] =	stream.indirect_vreg.gather [hbm4b:s6+s3], $0x80, v3, vm0, $0xb8;
	[tilespmem:$0x1C000] =	vst v63  }
.LBB2_4:
0x9f: {  	_ =	swait.ge [sflag:s28], $0x6000  }
0xa0: {  	[sflag:s28] =	ssyncset.done $0x0  }
0xa1: {  	[sflag:s28] =	ssyncadd.s32 $0xFFFFA000  }
0xa2: {  	[hbm4b:s4+s3] =	stream.linear.scatter [tilespmem:s10], [sflag:$0x7], $0x6000, $0x38;
	[tilespmem:$0x1C000] =	vst v63  }
.LBB2_5:
0xa3: {  	_ =	swait.ge [sflag:s29], $0x6000  }
0xa4: {  	[sflag:s29] =	ssyncset.done $0x0  }
0xa5: {  	s4 =	sadd.s32 s2, s8;
	[sflag:s29] =	ssyncadd.s32 $0xFFFFA000  }
0xa6: {  	[hbm4b:s4+s3] =	stream.linear.scatter [tilespmem:s13], [sflag:$0x8], $0x6000, $0x38;
	[tilespmem:$0x1C000] =	vst v63  }
0xa7: {  	s4 =	simm.s32 @!p0 $0x7  }
0xa8: {  	_ =	swait.ge @!p0 [sflag:s4], $0x6000  }
0xa9: {  	[sflag:s4] =	ssyncset.done @!p0 $0x0  }
0xaa: {  	[sflag:s4] =	ssyncadd.s32 @!p0 $0xFFFFA000  }
0xab: {  	v3 =	vld @!p0 [tilespmem:s0+$0x170];
	_ =	sdelay $0x4  }
0xac: {  	v4 =	vshrl.u32 @!p0 v3, $0x3  }
0xad: {  	v4 =	vmul.u32 @!p0 $0x30, v4  }
0xae: {  	v5 =	vlaneseq.u32 @!p0;
	v3 =	vand.u32 @!p0 $0x7, v3  }
0xaf: {  	v6 =	vshrl.u32 @!p0 v5, $0x3;
	v3 =	vor.u32 @!p0 v3, v4;
	v4 =	vand.u32 @!p0 $0x7, v5  }
0xb0: {  	v6 =	vmul.u32 @!p0 $0x8, v6;
	v7 =	vperm.xlane @!p0 v3, v4;
	_ =	sdelay $0x1  }
0xb1: {  	v7 =	vadd.s32 @!p0 v6, v7;
	_ =	sdelay $0x2  }
0xb2: {  	v5 =	vor.u32 @!p0 $0x8, v5  }
0xb3: {  	vm1 =	vmmov @!p0 $0xffff;
	s7 =	simm.s32 @!p0 $0x10000;
	s4 =	simm.s32 @!p0 $0x0;
	v3 =	vperm.xlane @!p0 v3, v5  }
0xb4: {  	[tilespmem:s7], [sflag:$0x3] =	stream.indirect_vreg.gather @!p0 [hbm4b:s1+s4], $0x80, v7, vm1, $0xb8;
	[tilespmem:$0x1C000] =	vst v63  }
0xb5: {  	v3 =	vadd.s32 @!p0 v6, v3;
	s7 =	simm.s32 @!p0 $0x10800  }
0xb6: {  	[tilespmem:s7], [sflag:$0x3] =	stream.indirect_vreg.gather @!p0 [hbm4b:s5+s4], $0x80, v7, vm1, $0xb8;
	[tilespmem:$0x1C000] =	vst v63  }
0xb7: {  	s7 =	simm.s32 @!p0 $0x11000  }
0xb8: {  	[tilespmem:s7], [sflag:$0x3] =	stream.indirect_vreg.gather @!p0 [hbm4b:s6+s4], $0x80, v7, vm1, $0xb8;
	[tilespmem:$0x1C000] =	vst v63  }
0xb9: {  	s7 =	simm.s32 @!p0 $0x11800  }
0xba: {  	[tilespmem:s7], [sflag:$0x3] =	stream.indirect_vreg.gather @!p0 [hbm4b:s1+s4], $0x80, v3, vm1, $0xb8;
	[tilespmem:$0x1C000] =	vst v63  }
0xbb: {  	s7 =	simm.s32 @!p0 $0x12000  }
0xbc: {  	[tilespmem:s7], [sflag:$0x3] =	stream.indirect_vreg.gather @!p0 [hbm4b:s5+s4], $0x80, v3, vm1, $0xb8;
	[tilespmem:$0x1C000] =	vst v63  }
0xbd: {  	s7 =	simm.s32 @!p0 $0x12800  }
0xbe: {  	[tilespmem:s7], [sflag:$0x3] =	stream.indirect_vreg.gather @!p0 [hbm4b:s6+s4], $0x80, v3, vm1, $0xb8;
	[tilespmem:$0x1C000] =	vst v63  }
0xbf: {  	v3 =	vld @!p0 [tilespmem:s0+$0x180];
	_ =	sdelay $0x4  }
0xc0: {  	v7 =	vshrl.u32 @!p0 v3, $0x3  }
0xc1: {  	v7 =	vmul.u32 @!p0 $0x30, v7  }
0xc2: {  	v3 =	vand.u32 @!p0 $0x7, v3  }
0xc3: {  	v3 =	vor.u32 @!p0 v3, v7  }
0xc4: {  	v4 =	vperm.xlane @!p0 v3, v4;
	_ =	sdelay $0x1  }
0xc5: {  	v4 =	vadd.s32 @!p0 v6, v4;
	_ =	sdelay $0x3  }
0xc6: {  	s7 =	simm.s32 @!p0 $0x13000;
	v3 =	vperm.xlane @!p0 v3, v5  }
0xc7: {  	[tilespmem:s7], [sflag:$0x3] =	stream.indirect_vreg.gather @!p0 [hbm4b:s1+s4], $0x80, v4, vm1, $0xb8;
	[tilespmem:$0x1C000] =	vst v63  }
0xc8: {  	s2 =	sadd.s32 @!p0 $0x3000, s2;
	v3 =	vadd.s32 @!p0 v6, v3;
	s7 =	simm.s32 @!p0 $0x13800  }
0xc9: {  	[tilespmem:s7], [sflag:$0x3] =	stream.indirect_vreg.gather @!p0 [hbm4b:s5+s4], $0x80, v4, vm1, $0xb8;
	[tilespmem:$0x1C000] =	vst v63  }
0xca: {  	p1 =	sne.s32 @!p0 s2, $0x60000;
	s7 =	simm.s32 @!p0 $0x14000  }
0xcb: {  	[tilespmem:s7], [sflag:$0x3] =	stream.indirect_vreg.gather @!p0 [hbm4b:s6+s4], $0x80, v4, vm1, $0xb8;
	[tilespmem:$0x1C000] =	vst v63  }
0xcc: {  	p1 =	por p0, !p1;
	s7 =	simm.s32 @!p0 $0x14800  }
0xcd: {  	[tilespmem:s7], [sflag:$0x3] =	stream.indirect_vreg.gather @!p0 [hbm4b:s1+s4], $0x80, v3, vm1, $0xb8;
	[tilespmem:$0x1C000] =	vst v63  }
.Ltmp3:
0xce: {  	_ = 	snop;
	(pc) =	sbr.rel @p1 .LBB2_6-.Ltmp3, $4  }
0xcf: {  	s7 =	simm.s32 @!p0 $0x15000  }
0xd0: {  	[tilespmem:s7], [sflag:$0x3] =	stream.indirect_vreg.gather @!p0 [hbm4b:s5+s4], $0x80, v3, vm1, $0xb8;
	[tilespmem:$0x1C000] =	vst v63  }
0xd1: {  	s0 =	sadd.s32 @!p0 $0x200, s0;
	s7 =	simm.s32 @!p0 $0x15800  }
0xd2: {  	[tilespmem:s7], [sflag:$0x3] =	stream.indirect_vreg.gather @!p0 [hbm4b:s6+s4], $0x80, v3, vm1, $0xb8;
	[tilespmem:$0x1C000] =	vst v63  }
.LBB2_2:
0xd3: {  	_ =	swait.ge [sflag:s12], $0x6000  }
0xd4: {  	p0 =	seq.s32 s2, $0x0;
	[sflag:s12] =	ssyncset.done $0x0  }
0xd5: {  	s4 =	sadd.s32 s2, s9;
	s7 =	simm.s32 @!p0 $0x8;
	[sflag:s12] =	ssyncadd.s32 $0xFFFFA000  }
0xd6: {  	[hbm4b:s4+s3] =	stream.linear.scatter [tilespmem:s11], [sflag:$0x5], $0x6000, $0x38;
	[tilespmem:$0x1C000] =	vst v63  }
0xd7: {  	_ =	swait.ge @!p0 [sflag:s7], $0x6000  }
0xd8: {  	[sflag:s7] =	ssyncset.done @!p0 $0x0  }
0xd9: {  	[sflag:s7] =	ssyncadd.s32 @!p0 $0xFFFFA000  }
0xda: {  	v3 =	vld [tilespmem:s0+$0xFFFFFFF0];
	_ =	sdelay $0x4  }
0xdb: {  	v4 =	vshrl.u32 v3, $0x3  }
0xdc: {  	v4 =	vmul.u32 $0x30, v4  }
0xdd: {  	v3 =	vand.u32 $0x7, v3  }
0xde: {  	v3 =	vor.u32 v3, v4  }
0xdf: {  	v4 =	vperm.xlane v3, v0;
	_ =	sdelay $0x1  }
0xe0: {  	v4 =	vadd.s32 v1, v4;
	_ =	sdelay $0x3  }
0xe1: {  	v3 =	vperm.xlane v3, v2  }
0xe2: {  	[tilespmem:s13], [sflag:$0x4] =	stream.indirect_vreg.gather [hbm4b:s1+s3], $0x80, v4, vm0, $0xb8;
	[tilespmem:$0x1C000] =	vst v63  }
0xe3: {  	v3 =	vadd.s32 v1, v3  }
0xe4: {  	[tilespmem:s14], [sflag:$0x4] =	stream.indirect_vreg.gather [hbm4b:s5+s3], $0x80, v4, vm0, $0xb8;
	[tilespmem:$0x1C000] =	vst v63  }
0xe5: {  	_ = 	snop  }
0xe6: {  	[tilespmem:s15], [sflag:$0x4] =	stream.indirect_vreg.gather [hbm4b:s6+s3], $0x80, v4, vm0, $0xb8;
	[tilespmem:$0x1C000] =	vst v63  }
0xe7: {  	_ = 	snop  }
0xe8: {  	[tilespmem:s16], [sflag:$0x4] =	stream.indirect_vreg.gather [hbm4b:s1+s3], $0x80, v3, vm0, $0xb8;
	[tilespmem:$0x1C000] =	vst v63  }
0xe9: {  	_ = 	snop  }
0xea: {  	[tilespmem:s17], [sflag:$0x4] =	stream.indirect_vreg.gather [hbm4b:s5+s3], $0x80, v3, vm0, $0xb8;
	[tilespmem:$0x1C000] =	vst v63  }
0xeb: {  	_ = 	snop  }
0xec: {  	[tilespmem:s18], [sflag:$0x4] =	stream.indirect_vreg.gather [hbm4b:s6+s3], $0x80, v3, vm0, $0xb8;
	[tilespmem:$0x1C000] =	vst v63  }
0xed: {  	v3 =	vld [tilespmem:s0+$0x0];
	_ =	sdelay $0x4  }
0xee: {  	v63 =	vshrl.u32 v3, $0x3  }
0xef: {  	v4 =	vmul.u32 $0x30, v63  }
0xf0: {  	v3 =	vand.u32 $0x7, v3  }
0xf1: {  	v3 =	vor.u32 v3, v4  }
0xf2: {  	v4 =	vperm.xlane v3, v0;
	_ =	sdelay $0x1  }
0xf3: {  	v4 =	vadd.s32 v1, v4;
	_ =	sdelay $0x3  }
0xf4: {  	v3 =	vperm.xlane v3, v2  }
0xf5: {  	[tilespmem:s19], [sflag:$0x4] =	stream.indirect_vreg.gather [hbm4b:s1+s3], $0x80, v4, vm0, $0xb8;
	[tilespmem:$0x1C000] =	vst v63  }
0xf6: {  	v3 =	vadd.s32 v1, v3  }
0xf7: {  	[tilespmem:s20], [sflag:$0x4] =	stream.indirect_vreg.gather [hbm4b:s5+s3], $0x80, v4, vm0, $0xb8;
	[tilespmem:$0x1C000] =	vst v63  }
0xf8: {  	_ = 	snop  }
0xf9: {  	[tilespmem:s21], [sflag:$0x4] =	stream.indirect_vreg.gather [hbm4b:s6+s3], $0x80, v4, vm0, $0xb8;
	[tilespmem:$0x1C000] =	vst v63  }
0xfa: {  	_ = 	snop  }
0xfb: {  	[tilespmem:s22], [sflag:$0x4] =	stream.indirect_vreg.gather [hbm4b:s1+s3], $0x80, v3, vm0, $0xb8;
	[tilespmem:$0x1C000] =	vst v63  }
0xfc: {  	_ = 	snop  }
0xfd: {  	[tilespmem:s24], [sflag:$0x4] =	stream.indirect_vreg.gather [hbm4b:s5+s3], $0x80, v3, vm0, $0xb8;
	[tilespmem:$0x1C000] =	vst v63  }
0xfe: {  	p0 =	seq.s32 s2, $0x5D000  }
0xff: {  	[tilespmem:s25], [sflag:$0x4] =	stream.indirect_vreg.gather [hbm4b:s6+s3], $0x80, v3, vm0, $0xb8;
	[tilespmem:$0x1C000] =	vst v63  }
.Ltmp4:
0x100: {  	_ = 	snop;
	(pc) =	sbr.rel @p0 .LBB2_4-.Ltmp4, $4  }
0x101: {  	_ =	swait.ge [sflag:s26], $0x6000  }
0x102: {  	[sflag:s26] =	ssyncset.done $0x0  }
0x103: {  	s7 =	sadd.s32 $0xC00, s4;
	s4 =	sadd.s32 $0x1800, s4;
	[sflag:s26] =	ssyncadd.s32 $0xFFFFA000  }
0x104: {  	[hbm4b:s7+s3] =	stream.linear.scatter [tilespmem:s23], [sflag:$0x6], $0x6000, $0x38;
	[tilespmem:$0x1C000] =	vst v63  }
0x105: {  	_ =	swait.ge [sflag:s30], $0x6000  }
0x106: {  	[sflag:s30] =	ssyncset.done $0x0  }
0x107: {  	[sflag:s30] =	ssyncadd.s32 $0xFFFFA000  }
0x108: {  	v3 =	vld [tilespmem:s0+$0x70];
	_ =	sdelay $0x4  }
0x109: {  	v4 =	vshrl.u32 v3, $0x3  }
0x10a: {  	v4 =	vmul.u32 $0x30, v4  }
0x10b: {  	v3 =	vand.u32 $0x7, v3  }
0x10c: {  	v3 =	vor.u32 v3, v4  }
0x10d: {  	v4 =	vperm.xlane v3, v0;
	_ =	sdelay $0x1  }
0x10e: {  	v4 =	vadd.s32 v1, v4;
	_ =	sdelay $0x3  }
0x10f: {  	v3 =	vperm.xlane v3, v2  }
0x110: {  	[tilespmem:s11], [sflag:$0x1] =	stream.indirect_vreg.gather [hbm4b:s1+s3], $0x80, v4, vm0, $0xb8;
	[tilespmem:$0x1C000] =	vst v63  }
0x111: {  	s7 =	simm.s32 $0x4800;
	v3 =	vadd.s32 v1, v3  }
0x112: {  	[tilespmem:s7], [sflag:$0x1] =	stream.indirect_vreg.gather [hbm4b:s5+s3], $0x80, v4, vm0, $0xb8;
	[tilespmem:$0x1C000] =	vst v63  }
0x113: {  	s7 =	simm.s32 $0x5000  }
0x114: {  	[tilespmem:s7], [sflag:$0x1] =	stream.indirect_vreg.gather [hbm4b:s6+s3], $0x80, v4, vm0, $0xb8;
	[tilespmem:$0x1C000] =	vst v63  }
0x115: {  	s7 =	simm.s32 $0x5800  }
0x116: {  	[tilespmem:s7], [sflag:$0x1] =	stream.indirect_vreg.gather [hbm4b:s1+s3], $0x80, v3, vm0, $0xb8;
	[tilespmem:$0x1C000] =	vst v63  }
0x117: {  	s7 =	simm.s32 $0x6000  }
0x118: {  	[tilespmem:s7], [sflag:$0x1] =	stream.indirect_vreg.gather [hbm4b:s5+s3], $0x80, v3, vm0, $0xb8;
	[tilespmem:$0x1C000] =	vst v63  }
0x119: {  	s7 =	simm.s32 $0x6800  }
0x11a: {  	[tilespmem:s7], [sflag:$0x1] =	stream.indirect_vreg.gather [hbm4b:s6+s3], $0x80, v3, vm0, $0xb8;
	[tilespmem:$0x1C000] =	vst v63  }
0x11b: {  	v3 =	vld [tilespmem:s0+$0x80];
	_ =	sdelay $0x4  }
0x11c: {  	v61 =	vshrl.u32 v3, $0x3  }
0x11d: {  	v4 =	vmul.u32 $0x30, v61  }
0x11e: {  	v3 =	vand.u32 $0x7, v3  }
0x11f: {  	v3 =	vor.u32 v3, v4  }
0x120: {  	v4 =	vperm.xlane v3, v0;
	_ =	sdelay $0x1  }
0x121: {  	v4 =	vadd.s32 v1, v4;
	_ =	sdelay $0x3  }
0x122: {  	s7 =	simm.s32 $0x7000;
	v3 =	vperm.xlane v3, v2  }
0x123: {  	[tilespmem:s7], [sflag:$0x1] =	stream.indirect_vreg.gather [hbm4b:s1+s3], $0x80, v4, vm0, $0xb8;
	[tilespmem:$0x1C000] =	vst v63  }
0x124: {  	v3 =	vadd.s32 v1, v3;
	s7 =	simm.s32 $0x7800  }
0x125: {  	[tilespmem:s7], [sflag:$0x1] =	stream.indirect_vreg.gather [hbm4b:s5+s3], $0x80, v4, vm0, $0xb8;
	[tilespmem:$0x1C000] =	vst v63  }
0x126: {  	s7 =	simm.s32 $0x8000  }
0x127: {  	[tilespmem:s7], [sflag:$0x1] =	stream.indirect_vreg.gather [hbm4b:s6+s3], $0x80, v4, vm0, $0xb8;
	[tilespmem:$0x1C000] =	vst v63  }
0x128: {  	s7 =	simm.s32 $0x8800  }
0x129: {  	[tilespmem:s7], [sflag:$0x1] =	stream.indirect_vreg.gather [hbm4b:s1+s3], $0x80, v3, vm0, $0xb8;
	[tilespmem:$0x1C000] =	vst v63  }
0x12a: {  	s7 =	simm.s32 $0x9000  }
0x12b: {  	[tilespmem:s7], [sflag:$0x1] =	stream.indirect_vreg.gather [hbm4b:s5+s3], $0x80, v3, vm0, $0xb8;
	[tilespmem:$0x1C000] =	vst v63  }
0x12c: {  	s7 =	simm.s32 $0x9800  }
0x12d: {  	[tilespmem:s7], [sflag:$0x1] =	stream.indirect_vreg.gather [hbm4b:s6+s3], $0x80, v3, vm0, $0xb8;
	[tilespmem:$0x1C000] =	vst v63  }
0x12e: {  	_ =	swait.ge [sflag:s28], $0x6000  }
0x12f: {  	[sflag:s28] =	ssyncset.done $0x0  }
0x130: {  	[sflag:s28] =	ssyncadd.s32 $0xFFFFA000  }
0x131: {  	[hbm4b:s4+s3] =	stream.linear.scatter [tilespmem:s10], [sflag:$0x7], $0x6000, $0x38;
	[tilespmem:$0x1C000] =	vst v63  }
0x132: {  	_ =	swait.ge [sflag:s31], $0x6000  }
0x133: {  	[sflag:s31] =	ssyncset.done $0x0  }
0x134: {  	[sflag:s31] =	ssyncadd.s32 $0xFFFFA000  }
0x135: {  	v3 =	vld [tilespmem:s0+$0xF0];
	_ =	sdelay $0x4  }
0x136: {  	v62 =	vshrl.u32 v3, $0x3  }
0x137: {  	v4 =	vmul.u32 $0x30, v62  }
0x138: {  	v3 =	vand.u32 $0x7, v3  }
0x139: {  	v3 =	vor.u32 v3, v4  }
0x13a: {  	v4 =	vperm.xlane v3, v0;
	_ =	sdelay $0x1  }
0x13b: {  	v4 =	vadd.s32 v1, v4;
	_ =	sdelay $0x3  }
0x13c: {  	v3 =	vperm.xlane v3, v2  }
0x13d: {  	[tilespmem:s23], [sflag:$0x2] =	stream.indirect_vreg.gather [hbm4b:s1+s3], $0x80, v4, vm0, $0xb8;
	[tilespmem:$0x1C000] =	vst v63  }
0x13e: {  	s7 =	simm.s32 $0xA800;
	v3 =	vadd.s32 v1, v3  }
0x13f: {  	[tilespmem:s7], [sflag:$0x2] =	stream.indirect_vreg.gather [hbm4b:s5+s3], $0x80, v4, vm0, $0xb8;
	[tilespmem:$0x1C000] =	vst v63  }
0x140: {  	s7 =	simm.s32 $0xB000  }
0x141: {  	[tilespmem:s7], [sflag:$0x2] =	stream.indirect_vreg.gather [hbm4b:s6+s3], $0x80, v4, vm0, $0xb8;
	[tilespmem:$0x1C000] =	vst v63  }
0x142: {  	s7 =	simm.s32 $0xB800  }
0x143: {  	[tilespmem:s7], [sflag:$0x2] =	stream.indirect_vreg.gather [hbm4b:s1+s3], $0x80, v3, vm0, $0xb8;
	[tilespmem:$0x1C000] =	vst v63  }
0x144: {  	s7 =	simm.s32 $0xC000  }
0x145: {  	[tilespmem:s7], [sflag:$0x2] =	stream.indirect_vreg.gather [hbm4b:s5+s3], $0x80, v3, vm0, $0xb8;
	[tilespmem:$0x1C000] =	vst v63  }
0x146: {  	s7 =	simm.s32 $0xC800  }
0x147: {  	[tilespmem:s7], [sflag:$0x2] =	stream.indirect_vreg.gather [hbm4b:s6+s3], $0x80, v3, vm0, $0xb8;
	[tilespmem:$0x1C000] =	vst v63  }
0x148: {  	v3 =	vld [tilespmem:s0+$0x100];
	_ =	sdelay $0x4  }
0x149: {  	v63 =	vshrl.u32 v3, $0x3  }
0x14a: {  	v4 =	vmul.u32 $0x30, v63  }
0x14b: {  	v3 =	vand.u32 $0x7, v3  }
0x14c: {  	v3 =	vor.u32 v3, v4  }
0x14d: {  	v4 =	vperm.xlane v3, v0;
	_ =	sdelay $0x1  }
0x14e: {  	v4 =	vadd.s32 v1, v4;
	_ =	sdelay $0x3  }
0x14f: {  	s7 =	simm.s32 $0xD000;
	v3 =	vperm.xlane v3, v2  }
0x150: {  	[tilespmem:s7], [sflag:$0x2] =	stream.indirect_vreg.gather [hbm4b:s1+s3], $0x80, v4, vm0, $0xb8;
	[tilespmem:$0x1C000] =	vst v63  }
0x151: {  	v3 =	vadd.s32 v1, v3;
	s7 =	simm.s32 $0xD800  }
0x152: {  	[tilespmem:s7], [sflag:$0x2] =	stream.indirect_vreg.gather [hbm4b:s5+s3], $0x80, v4, vm0, $0xb8;
	[tilespmem:$0x1C000] =	vst v63  }
0x153: {  	s7 =	simm.s32 $0xE000  }
0x154: {  	[tilespmem:s7], [sflag:$0x2] =	stream.indirect_vreg.gather [hbm4b:s6+s3], $0x80, v4, vm0, $0xb8;
	[tilespmem:$0x1C000] =	vst v63  }
0x155: {  	s7 =	simm.s32 $0xE800  }
0x156: {  	[tilespmem:s7], [sflag:$0x2] =	stream.indirect_vreg.gather [hbm4b:s1+s3], $0x80, v3, vm0, $0xb8;
	[tilespmem:$0x1C000] =	vst v63  }
.Ltmp5:
0x157: {  	_ = 	snop;
	(pc) =	sbr.rel .LBB2_5-.Ltmp5, $4  }
0x158: {  	s7 =	simm.s32 $0xF000  }
0x159: {  	[tilespmem:s7], [sflag:$0x2] =	stream.indirect_vreg.gather [hbm4b:s5+s3], $0x80, v3, vm0, $0xb8;
	[tilespmem:$0x1C000] =	vst v63  }
0x15a: {  	s7 =	simm.s32 $0xF800  }
0x15b: {  	[tilespmem:s7], [sflag:$0x2] =	stream.indirect_vreg.gather [hbm4b:s6+s3], $0x80, v3, vm0, $0xb8;
	[tilespmem:$0x1C000] =	vst v63  }
.LBB2_7:
0x15c: {  	_ =	sfence.sel $0x180000  }
0x15d: {  	[bflag:$0x0] =	sbarrier.arrive $0xFFFF  }
0x15e: {  	_ =	strace $0x90000047  }
0x15f: {  	s0 =	stileid.u32;
	[bflag:$0x2] =	sbarrier.arrive $0xFFFF  }
0x160: {  	p0 =	sne.s32 s0, $0x0;
	s0 =	rddreg [dreg:$0x3]  }
0x161: {  	s0 =	sadd.s32 @!p0 $0x100000, s0  }
0x162: {  	[sflag:s0] =	ssyncadd.tile.s32 @!p0 $0x1;
	_ =	shalt  }
.Lfunc_end2:
_tile_overlayer_lowered:
.L_overlay_start_2:
0x163: {  	(tag) =	ssettag $0x2  }
0x164: {  	s0 =	rddreg [dreg:$0x0];
	s2 =	stileid.u32  }
0x165: {  	s1 =	rddreg [dreg:$0x1];
	p0 =	sne.s32 s2, $0x0  }
0x166: {  	s3 =	rddreg [dreg:$0x2];
	[bflag:$0x3] =	sbarrier.arrive $0xFFFF;
	s2 =	simm.s32 @!p0 $0x1C09  }
0x167: {  	[timem:s3], [sflag:s2] =	dma.local @!p0 [hbm:s0], s1  }
0x168: {  	s0 =	simm.s32 @!p0 $0x9  }
0x169: {  	_ =	swait.ge @!p0 [sflag:s0], s1  }
0x16a: {  	s1 =	ssub.s32 @!p0 $0x0, s1;
	[sflag:s0] =	ssyncset.done @!p0 $0x0  }
0x16b: {  	[sflag:s0] =	ssyncadd.s32 @!p0 s1  }
0x16c: {  	[bflag:$0x3] =	sbarrier.arrive $0xFFFF  }
0x16d: {  	_ =	shalt  }

</sc_bundles>
